<compile_context>
chip_gen: v7x
topology: tpu7x:2x2x1
jax: 0.10.2.dev20260603
libtpu: 0.0.44.dev20260713+nightly
codegen_flags: <defaults>
</compile_context>

<pallas_src>
import functools

import jax
import jax.numpy as jnp
from jax import lax
from jax.experimental import pallas as pl
from jax.experimental.pallas import tpu as pltpu
from jax.experimental.pallas import tpu_sc as plsc

NW = 32
CHUNK = 128
NBUF = 4
DEPTH = NBUF - 1
LANES = 16


def _emb_body(batch, seq, hidden, x_hbm, word_hbm, pos_hbm, out_hbm,
              idx_v, word_v, pos_v, gsems, osems, isems, psem):
    c = lax.axis_index("c")
    s = lax.axis_index("s")
    wid = c * 16 + s
    s_per_w = seq // NW
    n_k = s_per_w // CHUNK
    n_chunks = batch * n_k
    s0 = wid * s_per_w

    icopies = [
        pltpu.async_copy(x_hbm.at[b, pl.ds(s0, s_per_w)], idx_v.at[b],
                         isems.at[b])
        for b in range(batch)
    ]
    pos_copy = pltpu.async_copy(pos_hbm.at[pl.ds(s0, s_per_w)], pos_v, psem)
    idx_ready = [False] * batch
    pos_ready = [False]

    def gather(t, buf):
        b, k = t // n_k, t % n_k
        if not idx_ready[b]:
            icopies[b].wait()
            idx_ready[b] = True
        return pltpu.async_copy(
            word_hbm.at[idx_v.at[b, pl.ds(k * CHUNK, CHUNK)]],
            word_v.at[buf], gsems.at[buf])

    pending_in = [None] * NBUF
    pending_out = [None] * NBUF
    for t in range(min(DEPTH, n_chunks)):
        pending_in[t] = gather(t, t)

    for t in range(n_chunks):
        buf = t % NBUF
        b, k = t // n_k, t % n_k
        nt = t + DEPTH
        if nt < n_chunks:
            nb = nt % NBUF
            if pending_out[nb] is not None:
                pending_out[nb].wait()
                pending_out[nb] = None
            pending_in[nb] = gather(nt, nb)
        pending_in[buf].wait()
        if not pos_ready[0]:
            pos_copy.wait()
            pos_ready[0] = True

        def row_body(i, carry):
            for h in range(hidden // LANES):
                sl = pl.ds(h * LANES, LANES)
                plsc.addupdate(word_v.at[buf, i, sl],
                               pos_v[k * CHUNK + i, sl])
            return carry

        lax.fori_loop(0, CHUNK, row_body, 0)
        pending_out[buf] = pltpu.async_copy(
            word_v.at[buf],
            out_hbm.at[pl.ds(b * seq + s0 + k * CHUNK, CHUNK)], osems.at[buf])

    for buf in range(NBUF):
        if pending_out[buf] is not None:
            pending_out[buf].wait()


@jax.jit
def _run(x, word_table, pos_table):
    batch, seq = x.shape
    vocab, hidden = word_table.shape
    total = batch * seq
    s_per_w = seq // NW

    xi = x.astype(jnp.int32)

    out = pl.kernel(
        functools.partial(_emb_body, batch, seq, hidden),
        out_type=jax.ShapeDtypeStruct((total, hidden), jnp.float32),
        mesh=plsc.VectorSubcoreMesh(core_axis_name="c", subcore_axis_name="s"),
        scratch_types=[
            pltpu.VMEM((batch, s_per_w), jnp.int32),
            pltpu.VMEM((NBUF, CHUNK, hidden), jnp.float32),
            pltpu.VMEM((s_per_w, hidden), jnp.float32),
            pltpu.SemaphoreType.DMA((NBUF,)),
            pltpu.SemaphoreType.DMA((NBUF,)),
            pltpu.SemaphoreType.DMA((batch,)),
            pltpu.SemaphoreType.DMA,
        ],
    )(xi, word_table, pos_table)
    return out.reshape(batch, seq, hidden)


def kernel(x, word_table, pos_table):
    batch, seq = x.shape
    assert seq % (NW * CHUNK) == 0
    assert word_table.shape[1] % LANES == 0
    return _run(x, word_table, pos_table)

# --- scband reference (transcript-rebuilt; emitter-appended) ---
"""Pipeline reference for scband-embedding-52140902973546 (READ-ONLY COPY).

The authoritative reference and input builder live on the scoring server;
editing this copy changes nothing except your own understanding.
"""

import jax, jax.numpy as jnp
import numpy as np

VOCAB = 100000
HIDDEN = 128
MAX_POS = 8192
BATCH = 4
SEQ = 8192

def setup_inputs(seed: int = 0) -> dict:
    key = jax.random.key(seed)
    k1, k2, k3 = jax.random.split(key, 3)
    x = jax.random.randint(k1, (BATCH, SEQ), 0, VOCAB, dtype=jnp.int64 if jax.config.jax_enable_x64 else jnp.int32)
    word_table = jax.random.normal(k2, (VOCAB, HIDDEN), dtype=jnp.float32) * 0.02
    pos_table = jax.random.normal(k3, (MAX_POS, HIDDEN), dtype=jnp.float32) * 0.02
    return {"x": x, "word_table": word_table, "pos_table": pos_table}

def reference(x, word_table, pos_table):
    batch_size, seq_length = x.shape
    positions = jnp.arange(0, seq_length)
    word_emb = jnp.take(word_table, x, axis=0)            # [B, S, H] gather
    pos_emb = jnp.take(pos_table, positions, axis=0)       # [S, H] gather
    embedding = word_emb + pos_emb[None, :, :]
    # dropout with p=0.0 is identity (eval-equivalent)
    return embedding

if __name__ == "__main__":
    import jax
    _d = setup_inputs()
    print(jax.jit(kernel)(*tuple(_d.values())))

</pallas_src>

<mosaic_0001>
#map = affine_map<(d0, d1) -> (0, 0)>
module attributes {stable_mosaic.version = 14 : i64} {
  func.func @_emb_body(%arg0: i32, %arg1: i32, %arg2: memref<4x8192xi32, #tpu.memory_space<hbm>>, %arg3: memref<100000x128xf32, #tpu.memory_space<hbm>>, %arg4: memref<8192x128xf32, #tpu.memory_space<hbm>>, %arg5: memref<32768x128xf32, #tpu.memory_space<hbm>>, %arg6: memref<4x256xi32, #tpu.memory_space<vmem>>, %arg7: memref<4x128x128xf32, #tpu.memory_space<vmem>>, %arg8: memref<256x128xf32, #tpu.memory_space<vmem>>, %arg9: memref<4x!tpu.dma_semaphore, #tpu.memory_space<semaphore_mem>>, %arg10: memref<4x!tpu.dma_semaphore, #tpu.memory_space<semaphore_mem>>, %arg11: memref<4x!tpu.dma_semaphore, #tpu.memory_space<semaphore_mem>>, %arg12: memref<!tpu.dma_semaphore, #tpu.memory_space<semaphore_mem>>) attributes {dimension_semantics = [#tpu.dimension_semantics<core_parallel>, #tpu.dimension_semantics<subcore_parallel>], iteration_bounds = array<i64: 2, 16>, scalar_prefetch = 0 : i64, scratch_operands = 7 : i64, tpu.core_type = #tpu.core_type<sc_vector_subcore>, window_params = [{transform_indices = #map}, {transform_indices = #map}, {transform_indices = #map}, {transform_indices = #map}]} {
    %mul3A = arith.constant 16 : i32
    %mul3A_0 = arith.muli %arg0, %mul3A : i32
    %add3A = arith.addi %mul3A_0, %arg1 : i32
    %mul3A_1 = arith.constant 256 : i32
    %mul3A_2 = arith.muli %add3A, %mul3A_1 : i32
    %dma_start3A = arith.constant 0 : i32
    %dma_start3A_3 = arith.constant 0 : i32
    %dma_start3A_4 = arith.constant 0 : i32
    %dma_start3A_5 = arith.constant 0 : i32
    %dma_start3A_6 = tpu.memref_slice %arg6[%dma_start3A_3, %dma_start3A_5] : memref<4x256xi32, #tpu.memory_space<vmem>> -> memref<1x256xi32, #tpu.memory_space<vmem>>
    %dma_start3A_7 = tpu.memref_squeeze %dma_start3A_6 : memref<1x256xi32, #tpu.memory_space<vmem>> -> memref<256xi32, #tpu.memory_space<vmem>>
    %dma_start3A_8 = tpu.memref_slice %arg2[%dma_start3A, %mul3A_2] : memref<4x8192xi32, #tpu.memory_space<hbm>> -> memref<1x256xi32, #tpu.memory_space<hbm>>
    %dma_start3A_9 = tpu.memref_squeeze %dma_start3A_8 : memref<1x256xi32, #tpu.memory_space<hbm>> -> memref<256xi32, #tpu.memory_space<hbm>>
    %dma_start3A_10 = tpu.memref_slice %arg11[%dma_start3A_4] : memref<4x!tpu.dma_semaphore, #tpu.memory_space<semaphore_mem>> -> memref<1x!tpu.dma_semaphore, #tpu.memory_space<semaphore_mem>>
    %dma_start3A_11 = tpu.memref_squeeze %dma_start3A_10 : memref<1x!tpu.dma_semaphore, #tpu.memory_space<semaphore_mem>> -> memref<!tpu.dma_semaphore, #tpu.memory_space<semaphore_mem>>
    %dma_start3A_12 = arith.constant 0 : i32
    %dma_start3A_13 = tpu.memref_slice %arg6[%dma_start3A_3, %dma_start3A_12] : memref<4x256xi32, #tpu.memory_space<vmem>> -> memref<1x256xi32, #tpu.memory_space<vmem>>
    %dma_start3A_14 = tpu.memref_squeeze %dma_start3A_13 : memref<1x256xi32, #tpu.memory_space<vmem>> -> memref<256xi32, #tpu.memory_space<vmem>>
    %dma_start3A_15 = tpu.memref_slice %arg2[%dma_start3A, %mul3A_2] : memref<4x8192xi32, #tpu.memory_space<hbm>> -> memref<1x256xi32, #tpu.memory_space<hbm>>
    %dma_start3A_16 = tpu.memref_squeeze %dma_start3A_15 : memref<1x256xi32, #tpu.memory_space<hbm>> -> memref<256xi32, #tpu.memory_space<hbm>>
    tpu.enqueue_dma source(%dma_start3A_16 : memref<256xi32, #tpu.memory_space<hbm>>) target(%dma_start3A_14 : memref<256xi32, #tpu.memory_space<vmem>>) target_semaphore(%dma_start3A_11 : memref<!tpu.dma_semaphore, #tpu.memory_space<semaphore_mem>>)
    %dma_start3A_17 = arith.constant 1 : i32
    %dma_start3A_18 = arith.constant 1 : i32
    %dma_start3A_19 = arith.constant 1 : i32
    %dma_start3A_20 = arith.constant 0 : i32
    %dma_start3A_21 = tpu.memref_slice %arg6[%dma_start3A_18, %dma_start3A_20] : memref<4x256xi32, #tpu.memory_space<vmem>> -> memref<1x256xi32, #tpu.memory_space<vmem>>
    %dma_start3A_22 = tpu.memref_squeeze %dma_start3A_21 : memref<1x256xi32, #tpu.memory_space<vmem>> -> memref<256xi32, #tpu.memory_space<vmem>>
    %dma_start3A_23 = tpu.memref_slice %arg2[%dma_start3A_17, %mul3A_2] : memref<4x8192xi32, #tpu.memory_space<hbm>> -> memref<1x256xi32, #tpu.memory_space<hbm>>
    %dma_start3A_24 = tpu.memref_squeeze %dma_start3A_23 : memref<1x256xi32, #tpu.memory_space<hbm>> -> memref<256xi32, #tpu.memory_space<hbm>>
    %dma_start3A_25 = tpu.memref_slice %arg11[%dma_start3A_19] : memref<4x!tpu.dma_semaphore, #tpu.memory_space<semaphore_mem>> -> memref<1x!tpu.dma_semaphore, #tpu.memory_space<semaphore_mem>>
    %dma_start3A_26 = tpu.memref_squeeze %dma_start3A_25 : memref<1x!tpu.dma_semaphore, #tpu.memory_space<semaphore_mem>> -> memref<!tpu.dma_semaphore, #tpu.memory_space<semaphore_mem>>
    %dma_start3A_27 = arith.constant 0 : i32
    %dma_start3A_28 = tpu.memref_slice %arg6[%dma_start3A_18, %dma_start3A_27] : memref<4x256xi32, #tpu.memory_space<vmem>> -> memref<1x256xi32, #tpu.memory_space<vmem>>
    %dma_start3A_29 = tpu.memref_squeeze %dma_start3A_28 : memref<1x256xi32, #tpu.memory_space<vmem>> -> memref<256xi32, #tpu.memory_space<vmem>>
    %dma_start3A_30 = tpu.memref_slice %arg2[%dma_start3A_17, %mul3A_2] : memref<4x8192xi32, #tpu.memory_space<hbm>> -> memref<1x256xi32, #tpu.memory_space<hbm>>
    %dma_start3A_31 = tpu.memref_squeeze %dma_start3A_30 : memref<1x256xi32, #tpu.memory_space<hbm>> -> memref<256xi32, #tpu.memory_space<hbm>>
    tpu.enqueue_dma source(%dma_start3A_31 : memref<256xi32, #tpu.memory_space<hbm>>) target(%dma_start3A_29 : memref<256xi32, #tpu.memory_space<vmem>>) target_semaphore(%dma_start3A_26 : memref<!tpu.dma_semaphore, #tpu.memory_space<semaphore_mem>>)
    %dma_start3A_32 = arith.constant 2 : i32
    %dma_start3A_33 = arith.constant 2 : i32
    %dma_start3A_34 = arith.constant 2 : i32
    %dma_start3A_35 = arith.constant 0 : i32
    %dma_start3A_36 = tpu.memref_slice %arg6[%dma_start3A_33, %dma_start3A_35] : memref<4x256xi32, #tpu.memory_space<vmem>> -> memref<1x256xi32, #tpu.memory_space<vmem>>
    %dma_start3A_37 = tpu.memref_squeeze %dma_start3A_36 : memref<1x256xi32, #tpu.memory_space<vmem>> -> memref<256xi32, #tpu.memory_space<vmem>>
    %dma_start3A_38 = tpu.memref_slice %arg2[%dma_start3A_32, %mul3A_2] : memref<4x8192xi32, #tpu.memory_space<hbm>> -> memref<1x256xi32, #tpu.memory_space<hbm>>
    %dma_start3A_39 = tpu.memref_squeeze %dma_start3A_38 : memref<1x256xi32, #tpu.memory_space<hbm>> -> memref<256xi32, #tpu.memory_space<hbm>>
    %dma_start3A_40 = tpu.memref_slice %arg11[%dma_start3A_34] : memref<4x!tpu.dma_semaphore, #tpu.memory_space<semaphore_mem>> -> memref<1x!tpu.dma_semaphore, #tpu.memory_space<semaphore_mem>>
    %dma_start3A_41 = tpu.memref_squeeze %dma_start3A_40 : memref<1x!tpu.dma_semaphore, #tpu.memory_space<semaphore_mem>> -> memref<!tpu.dma_semaphore, #tpu.memory_space<semaphore_mem>>
    %dma_start3A_42 = arith.constant 0 : i32
    %dma_start3A_43 = tpu.memref_slice %arg6[%dma_start3A_33, %dma_start3A_42] : memref<4x256xi32, #tpu.memory_space<vmem>> -> memref<1x256xi32, #tpu.memory_space<vmem>>
    %dma_start3A_44 = tpu.memref_squeeze %dma_start3A_43 : memref<1x256xi32, #tpu.memory_space<vmem>> -> memref<256xi32, #tpu.memory_space<vmem>>
    %dma_start3A_45 = tpu.memref_slice %arg2[%dma_start3A_32, %mul3A_2] : memref<4x8192xi32, #tpu.memory_space<hbm>> -> memref<1x256xi32, #tpu.memory_space<hbm>>
    %dma_start3A_46 = tpu.memref_squeeze %dma_start3A_45 : memref<1x256xi32, #tpu.memory_space<hbm>> -> memref<256xi32, #tpu.memory_space<hbm>>
    tpu.enqueue_dma source(%dma_start3A_46 : memref<256xi32, #tpu.memory_space<hbm>>) target(%dma_start3A_44 : memref<256xi32, #tpu.memory_space<vmem>>) target_semaphore(%dma_start3A_41 : memref<!tpu.dma_semaphore, #tpu.memory_space<semaphore_mem>>)
    %dma_start3A_47 = arith.constant 3 : i32
    %dma_start3A_48 = arith.constant 3 : i32
    %dma_start3A_49 = arith.constant 3 : i32
    %dma_start3A_50 = arith.constant 0 : i32
    %dma_start3A_51 = tpu.memref_slice %arg6[%dma_start3A_48, %dma_start3A_50] : memref<4x256xi32, #tpu.memory_space<vmem>> -> memref<1x256xi32, #tpu.memory_space<vmem>>
    %dma_start3A_52 = tpu.memref_squeeze %dma_start3A_51 : memref<1x256xi32, #tpu.memory_space<vmem>> -> memref<256xi32, #tpu.memory_space<vmem>>
    %dma_start3A_53 = tpu.memref_slice %arg2[%dma_start3A_47, %mul3A_2] : memref<4x8192xi32, #tpu.memory_space<hbm>> -> memref<1x256xi32, #tpu.memory_space<hbm>>
    %dma_start3A_54 = tpu.memref_squeeze %dma_start3A_53 : memref<1x256xi32, #tpu.memory_space<hbm>> -> memref<256xi32, #tpu.memory_space<hbm>>
    %dma_start3A_55 = tpu.memref_slice %arg11[%dma_start3A_49] : memref<4x!tpu.dma_semaphore, #tpu.memory_space<semaphore_mem>> -> memref<1x!tpu.dma_semaphore, #tpu.memory_space<semaphore_mem>>
    %dma_start3A_56 = tpu.memref_squeeze %dma_start3A_55 : memref<1x!tpu.dma_semaphore, #tpu.memory_space<semaphore_mem>> -> memref<!tpu.dma_semaphore, #tpu.memory_space<semaphore_mem>>
    %dma_start3A_57 = arith.constant 0 : i32
    %dma_start3A_58 = tpu.memref_slice %arg6[%dma_start3A_48, %dma_start3A_57] : memref<4x256xi32, #tpu.memory_space<vmem>> -> memref<1x256xi32, #tpu.memory_space<vmem>>
    %dma_start3A_59 = tpu.memref_squeeze %dma_start3A_58 : memref<1x256xi32, #tpu.memory_space<vmem>> -> memref<256xi32, #tpu.memory_space<vmem>>
    %dma_start3A_60 = tpu.memref_slice %arg2[%dma_start3A_47, %mul3A_2] : memref<4x8192xi32, #tpu.memory_space<hbm>> -> memref<1x256xi32, #tpu.memory_space<hbm>>
    %dma_start3A_61 = tpu.memref_squeeze %dma_start3A_60 : memref<1x256xi32, #tpu.memory_space<hbm>> -> memref<256xi32, #tpu.memory_space<hbm>>
    tpu.enqueue_dma source(%dma_start3A_61 : memref<256xi32, #tpu.memory_space<hbm>>) target(%dma_start3A_59 : memref<256xi32, #tpu.memory_space<vmem>>) target_semaphore(%dma_start3A_56 : memref<!tpu.dma_semaphore, #tpu.memory_space<semaphore_mem>>)
    %dma_start3A_62 = arith.constant 0 : i32
    %dma_start3A_63 = tpu.memref_slice %arg4[%mul3A_2, %dma_start3A_62] : memref<8192x128xf32, #tpu.memory_space<hbm>> -> memref<256x128xf32, #tpu.memory_space<hbm>>
    %dma_start3A_64 = arith.constant 0 : i32
    %dma_start3A_65 = tpu.memref_slice %arg4[%mul3A_2, %dma_start3A_64] : memref<8192x128xf32, #tpu.memory_space<hbm>> -> memref<256x128xf32, #tpu.memory_space<hbm>>
    tpu.enqueue_dma source(%dma_start3A_65 : memref<256x128xf32, #tpu.memory_space<hbm>>) target(%arg8 : memref<256x128xf32, #tpu.memory_space<vmem>>) target_semaphore(%arg12 : memref<!tpu.dma_semaphore, #tpu.memory_space<semaphore_mem>>)
    %dma_wait3A = arith.constant 0 : i32
    %dma_wait3A_66 = arith.constant 0 : i32
    %dma_wait3A_67 = arith.constant 0 : i32
    %dma_wait3A_68 = arith.constant 0 : i32
    %dma_wait3A_69 = tpu.memref_slice %arg6[%dma_wait3A_66, %dma_wait3A_68] : memref<4x256xi32, #tpu.memory_space<vmem>> -> memref<1x256xi32, #tpu.memory_space<vmem>>
    %dma_wait3A_70 = tpu.memref_squeeze %dma_wait3A_69 : memref<1x256xi32, #tpu.memory_space<vmem>> -> memref<256xi32, #tpu.memory_space<vmem>>
    %dma_wait3A_71 = tpu.memref_slice %arg2[%dma_wait3A, %mul3A_2] : memref<4x8192xi32, #tpu.memory_space<hbm>> -> memref<1x256xi32, #tpu.memory_space<hbm>>
    %dma_wait3A_72 = tpu.memref_squeeze %dma_wait3A_71 : memref<1x256xi32, #tpu.memory_space<hbm>> -> memref<256xi32, #tpu.memory_space<hbm>>
    %dma_wait3A_73 = tpu.memref_slice %arg11[%dma_wait3A_67] : memref<4x!tpu.dma_semaphore, #tpu.memory_space<semaphore_mem>> -> memref<1x!tpu.dma_semaphore, #tpu.memory_space<semaphore_mem>>
    %dma_wait3A_74 = tpu.memref_squeeze %dma_wait3A_73 : memref<1x!tpu.dma_semaphore, #tpu.memory_space<semaphore_mem>> -> memref<!tpu.dma_semaphore, #tpu.memory_space<semaphore_mem>>
    %dma_wait3A_75 = arith.constant 0 : i32
    %dma_wait3A_76 = tpu.memref_slice %arg6[%dma_wait3A_66, %dma_wait3A_75] : memref<4x256xi32, #tpu.memory_space<vmem>> -> memref<1x256xi32, #tpu.memory_space<vmem>>
    %dma_wait3A_77 = tpu.memref_squeeze %dma_wait3A_76 : memref<1x256xi32, #tpu.memory_space<vmem>> -> memref<256xi32, #tpu.memory_space<vmem>>
    %dma_wait3A_78 = tpu.memref_slice %arg2[%dma_wait3A, %mul3A_2] : memref<4x8192xi32, #tpu.memory_space<hbm>> -> memref<1x256xi32, #tpu.memory_space<hbm>>
    %dma_wait3A_79 = tpu.memref_squeeze %dma_wait3A_78 : memref<1x256xi32, #tpu.memory_space<hbm>> -> memref<256xi32, #tpu.memory_space<hbm>>
    tpu.wait_dma2 semaphore(%dma_wait3A_74 : memref<!tpu.dma_semaphore, #tpu.memory_space<semaphore_mem>>) src(%dma_wait3A_79 : memref<256xi32, #tpu.memory_space<hbm>>) dst(%dma_wait3A_77 : memref<256xi32, #tpu.memory_space<vmem>>)
    %dma_start3A_80 = arith.constant 0 : i32
    %dma_start3A_81 = arith.constant 0 : i32
    %dma_start3A_82 = arith.constant 0 : i32
    %dma_start3A_83 = arith.constant 0 : i32
    %dma_start3A_84 = arith.constant 0 : i32
    %dma_start3A_85 = tpu.memref_slice %arg7[%dma_start3A_81, %dma_start3A_83, %dma_start3A_84] : memref<4x128x128xf32, #tpu.memory_space<vmem>> -> memref<1x128x128xf32, #tpu.memory_space<vmem>>
    %dma_start3A_86 = tpu.memref_squeeze %dma_start3A_85 : memref<1x128x128xf32, #tpu.memory_space<vmem>> -> memref<128x128xf32, #tpu.memory_space<vmem>>
    %dma_start3A_87 = arith.constant 0 : i32
    %dma_start3A_88 = tpu.memref_slice %arg6[%dma_start3A_80, %dma_start3A_87] : memref<4x256xi32, #tpu.memory_space<vmem>> -> memref<1x128xi32, #tpu.memory_space<vmem>>
    %dma_start3A_89 = tpu.memref_squeeze %dma_start3A_88 : memref<1x128xi32, #tpu.memory_space<vmem>> -> memref<128xi32, #tpu.memory_space<vmem>>
    %dma_start3A_90 = arith.constant 0 : i32
    %dma_start3A_91 = arith.constant 0 : i32
    %dma_start3A_92 = tpu.memref_slice %arg3[%dma_start3A_90, %dma_start3A_91] : memref<100000x128xf32, #tpu.memory_space<hbm>> -> memref<100000x128xf32, #tpu.memory_space<hbm>>
    %dma_start3A_93 = tpu.memref_slice %arg9[%dma_start3A_82] : memref<4x!tpu.dma_semaphore, #tpu.memory_space<semaphore_mem>> -> memref<1x!tpu.dma_semaphore, #tpu.memory_space<semaphore_mem>>
    %dma_start3A_94 = tpu.memref_squeeze %dma_start3A_93 : memref<1x!tpu.dma_semaphore, #tpu.memory_space<semaphore_mem>> -> memref<!tpu.dma_semaphore, #tpu.memory_space<semaphore_mem>>
    tpu.enqueue_indirect_dma source(%dma_start3A_92 : memref<100000x128xf32, #tpu.memory_space<hbm>>) target(%dma_start3A_86 : memref<128x128xf32, #tpu.memory_space<vmem>>) offsets(%dma_start3A_89 : memref<128xi32, #tpu.memory_space<vmem>>) semaphore(%dma_start3A_94 : memref<!tpu.dma_semaphore, #tpu.memory_space<semaphore_mem>>)
    %dma_start3A_95 = arith.constant 0 : i32
    %dma_start3A_96 = arith.constant 1 : i32
    %dma_start3A_97 = arith.constant 1 : i32
    %dma_start3A_98 = arith.constant 0 : i32
    %dma_start3A_99 = arith.constant 0 : i32
    %dma_start3A_100 = tpu.memref_slice %arg7[%dma_start3A_96, %dma_start3A_98, %dma_start3A_99] : memref<4x128x128xf32, #tpu.memory_space<vmem>> -> memref<1x128x128xf32, #tpu.memory_space<vmem>>
    %dma_start3A_101 = tpu.memref_squeeze %dma_start3A_100 : memref<1x128x128xf32, #tpu.memory_space<vmem>> -> memref<128x128xf32, #tpu.memory_space<vmem>>
    %dma_start3A_102 = arith.constant 128 : i32
    %dma_start3A_103 = tpu.memref_slice %arg6[%dma_start3A_95, %dma_start3A_102] : memref<4x256xi32, #tpu.memory_space<vmem>> -> memref<1x128xi32, #tpu.memory_space<vmem>>
    %dma_start3A_104 = tpu.memref_squeeze %dma_start3A_103 : memref<1x128xi32, #tpu.memory_space<vmem>> -> memref<128xi32, #tpu.memory_space<vmem>>
    %dma_start3A_105 = arith.constant 0 : i32
    %dma_start3A_106 = arith.constant 0 : i32
    %dma_start3A_107 = tpu.memref_slice %arg3[%dma_start3A_105, %dma_start3A_106] : memref<100000x128xf32, #tpu.memory_space<hbm>> -> memref<100000x128xf32, #tpu.memory_space<hbm>>
    %dma_start3A_108 = tpu.memref_slice %arg9[%dma_start3A_97] : memref<4x!tpu.dma_semaphore, #tpu.memory_space<semaphore_mem>> -> memref<1x!tpu.dma_semaphore, #tpu.memory_space<semaphore_mem>>
    %dma_start3A_109 = tpu.memref_squeeze %dma_start3A_108 : memref<1x!tpu.dma_semaphore, #tpu.memory_space<semaphore_mem>> -> memref<!tpu.dma_semaphore, #tpu.memory_space<semaphore_mem>>
    tpu.enqueue_indirect_dma source(%dma_start3A_107 : memref<100000x128xf32, #tpu.memory_space<hbm>>) target(%dma_start3A_101 : memref<128x128xf32, #tpu.memory_space<vmem>>) offsets(%dma_start3A_104 : memref<128xi32, #tpu.memory_space<vmem>>) semaphore(%dma_start3A_109 : memref<!tpu.dma_semaphore, #tpu.memory_space<semaphore_mem>>)
    %dma_wait3A_110 = arith.constant 1 : i32
    %dma_wait3A_111 = arith.constant 1 : i32
    %dma_wait3A_112 = arith.constant 1 : i32
    %dma_wait3A_113 = arith.constant 0 : i32
    %dma_wait3A_114 = tpu.memref_slice %arg6[%dma_wait3A_111, %dma_wait3A_113] : memref<4x256xi32, #tpu.memory_space<vmem>> -> memref<1x256xi32, #tpu.memory_space<vmem>>
    %dma_wait3A_115 = tpu.memref_squeeze %dma_wait3A_114 : memref<1x256xi32, #tpu.memory_space<vmem>> -> memref<256xi32, #tpu.memory_space<vmem>>
    %dma_wait3A_116 = tpu.memref_slice %arg2[%dma_wait3A_110, %mul3A_2] : memref<4x8192xi32, #tpu.memory_space<hbm>> -> memref<1x256xi32, #tpu.memory_space<hbm>>
    %dma_wait3A_117 = tpu.memref_squeeze %dma_wait3A_116 : memref<1x256xi32, #tpu.memory_space<hbm>> -> memref<256xi32, #tpu.memory_space<hbm>>
    %dma_wait3A_118 = tpu.memref_slice %arg11[%dma_wait3A_112] : memref<4x!tpu.dma_semaphore, #tpu.memory_space<semaphore_mem>> -> memref<1x!tpu.dma_semaphore, #tpu.memory_space<semaphore_mem>>
    %dma_wait3A_119 = tpu.memref_squeeze %dma_wait3A_118 : memref<1x!tpu.dma_semaphore, #tpu.memory_space<semaphore_mem>> -> memref<!tpu.dma_semaphore, #tpu.memory_space<semaphore_mem>>
    %dma_wait3A_120 = arith.constant 0 : i32
    %dma_wait3A_121 = tpu.memref_slice %arg6[%dma_wait3A_111, %dma_wait3A_120] : memref<4x256xi32, #tpu.memory_space<vmem>> -> memref<1x256xi32, #tpu.memory_space<vmem>>
    %dma_wait3A_122 = tpu.memref_squeeze %dma_wait3A_121 : memref<1x256xi32, #tpu.memory_space<vmem>> -> memref<256xi32, #tpu.memory_space<vmem>>
    %dma_wait3A_123 = tpu.memref_slice %arg2[%dma_wait3A_110, %mul3A_2] : memref<4x8192xi32, #tpu.memory_space<hbm>> -> memref<1x256xi32, #tpu.memory_space<hbm>>
    %dma_wait3A_124 = tpu.memref_squeeze %dma_wait3A_123 : memref<1x256xi32, #tpu.memory_space<hbm>> -> memref<256xi32, #tpu.memory_space<hbm>>
    tpu.wait_dma2 semaphore(%dma_wait3A_119 : memref<!tpu.dma_semaphore, #tpu.memory_space<semaphore_mem>>) src(%dma_wait3A_124 : memref<256xi32, #tpu.memory_space<hbm>>) dst(%dma_wait3A_122 : memref<256xi32, #tpu.memory_space<vmem>>)
    %dma_start3A_125 = arith.constant 1 : i32
    %dma_start3A_126 = arith.constant 2 : i32
    %dma_start3A_127 = arith.constant 2 : i32
    %dma_start3A_128 = arith.constant 0 : i32
    %dma_start3A_129 = arith.constant 0 : i32
    %dma_start3A_130 = tpu.memref_slice %arg7[%dma_start3A_126, %dma_start3A_128, %dma_start3A_129] : memref<4x128x128xf32, #tpu.memory_space<vmem>> -> memref<1x128x128xf32, #tpu.memory_space<vmem>>
    %dma_start3A_131 = tpu.memref_squeeze %dma_start3A_130 : memref<1x128x128xf32, #tpu.memory_space<vmem>> -> memref<128x128xf32, #tpu.memory_space<vmem>>
    %dma_start3A_132 = arith.constant 0 : i32
    %dma_start3A_133 = tpu.memref_slice %arg6[%dma_start3A_125, %dma_start3A_132] : memref<4x256xi32, #tpu.memory_space<vmem>> -> memref<1x128xi32, #tpu.memory_space<vmem>>
    %dma_start3A_134 = tpu.memref_squeeze %dma_start3A_133 : memref<1x128xi32, #tpu.memory_space<vmem>> -> memref<128xi32, #tpu.memory_space<vmem>>
    %dma_start3A_135 = arith.constant 0 : i32
    %dma_start3A_136 = arith.constant 0 : i32
    %dma_start3A_137 = tpu.memref_slice %arg3[%dma_start3A_135, %dma_start3A_136] : memref<100000x128xf32, #tpu.memory_space<hbm>> -> memref<100000x128xf32, #tpu.memory_space<hbm>>
    %dma_start3A_138 = tpu.memref_slice %arg9[%dma_start3A_127] : memref<4x!tpu.dma_semaphore, #tpu.memory_space<semaphore_mem>> -> memref<1x!tpu.dma_semaphore, #tpu.memory_space<semaphore_mem>>
    %dma_start3A_139 = tpu.memref_squeeze %dma_start3A_138 : memref<1x!tpu.dma_semaphore, #tpu.memory_space<semaphore_mem>> -> memref<!tpu.dma_semaphore, #tpu.memory_space<semaphore_mem>>
    tpu.enqueue_indirect_dma source(%dma_start3A_137 : memref<100000x128xf32, #tpu.memory_space<hbm>>) target(%dma_start3A_131 : memref<128x128xf32, #tpu.memory_space<vmem>>) offsets(%dma_start3A_134 : memref<128xi32, #tpu.memory_space<vmem>>) semaphore(%dma_start3A_139 : memref<!tpu.dma_semaphore, #tpu.memory_space<semaphore_mem>>)
    %dma_start3A_140 = arith.constant 1 : i32
    %dma_start3A_141 = arith.constant 3 : i32
    %dma_start3A_142 = arith.constant 3 : i32
    %dma_start3A_143 = arith.constant 0 : i32
    %dma_start3A_144 = arith.constant 0 : i32
    %dma_start3A_145 = tpu.memref_slice %arg7[%dma_start3A_141, %dma_start3A_143, %dma_start3A_144] : memref<4x128x128xf32, #tpu.memory_space<vmem>> -> memref<1x128x128xf32, #tpu.memory_space<vmem>>
    %dma_start3A_146 = tpu.memref_squeeze %dma_start3A_145 : memref<1x128x128xf32, #tpu.memory_space<vmem>> -> memref<128x128xf32, #tpu.memory_space<vmem>>
    %dma_start3A_147 = arith.constant 128 : i32
    %dma_start3A_148 = tpu.memref_slice %arg6[%dma_start3A_140, %dma_start3A_147] : memref<4x256xi32, #tpu.memory_space<vmem>> -> memref<1x128xi32, #tpu.memory_space<vmem>>
    %dma_start3A_149 = tpu.memref_squeeze %dma_start3A_148 : memref<1x128xi32, #tpu.memory_space<vmem>> -> memref<128xi32, #tpu.memory_space<vmem>>
    %dma_start3A_150 = arith.constant 0 : i32
    %dma_start3A_151 = arith.constant 0 : i32
    %dma_start3A_152 = tpu.memref_slice %arg3[%dma_start3A_150, %dma_start3A_151] : memref<100000x128xf32, #tpu.memory_space<hbm>> -> memref<100000x128xf32, #tpu.memory_space<hbm>>
    %dma_start3A_153 = tpu.memref_slice %arg9[%dma_start3A_142] : memref<4x!tpu.dma_semaphore, #tpu.memory_space<semaphore_mem>> -> memref<1x!tpu.dma_semaphore, #tpu.memory_space<semaphore_mem>>
    %dma_start3A_154 = tpu.memref_squeeze %dma_start3A_153 : memref<1x!tpu.dma_semaphore, #tpu.memory_space<semaphore_mem>> -> memref<!tpu.dma_semaphore, #tpu.memory_space<semaphore_mem>>
    tpu.enqueue_indirect_dma source(%dma_start3A_152 : memref<100000x128xf32, #tpu.memory_space<hbm>>) target(%dma_start3A_146 : memref<128x128xf32, #tpu.memory_space<vmem>>) offsets(%dma_start3A_149 : memref<128xi32, #tpu.memory_space<vmem>>) semaphore(%dma_start3A_154 : memref<!tpu.dma_semaphore, #tpu.memory_space<semaphore_mem>>)
    %dma_wait3A_155 = arith.constant 0 : i32
    %dma_wait3A_156 = arith.constant 0 : i32
    %dma_wait3A_157 = arith.constant 0 : i32
    %dma_wait3A_158 = arith.constant 0 : i32
    %dma_wait3A_159 = arith.constant 0 : i32
    %dma_wait3A_160 = tpu.memref_slice %arg7[%dma_wait3A_156, %dma_wait3A_158, %dma_wait3A_159] : memref<4x128x128xf32, #tpu.memory_space<vmem>> -> memref<1x128x128xf32, #tpu.memory_space<vmem>>
    %dma_wait3A_161 = tpu.memref_squeeze %dma_wait3A_160 : memref<1x128x128xf32, #tpu.memory_space<vmem>> -> memref<128x128xf32, #tpu.memory_space<vmem>>
    %dma_wait3A_162 = arith.constant 0 : i32
    %dma_wait3A_163 = tpu.memref_slice %arg6[%dma_wait3A_155, %dma_wait3A_162] : memref<4x256xi32, #tpu.memory_space<vmem>> -> memref<1x128xi32, #tpu.memory_space<vmem>>
    %dma_wait3A_164 = tpu.memref_squeeze %dma_wait3A_163 : memref<1x128xi32, #tpu.memory_space<vmem>> -> memref<128xi32, #tpu.memory_space<vmem>>
    %dma_wait3A_165 = arith.constant 0 : i32
    %dma_wait3A_166 = arith.constant 0 : i32
    %dma_wait3A_167 = tpu.memref_slice %arg3[%dma_wait3A_165, %dma_wait3A_166] : memref<100000x128xf32, #tpu.memory_space<hbm>> -> memref<100000x128xf32, #tpu.memory_space<hbm>>
    %dma_wait3A_168 = tpu.memref_slice %arg9[%dma_wait3A_157] : memref<4x!tpu.dma_semaphore, #tpu.memory_space<semaphore_mem>> -> memref<1x!tpu.dma_semaphore, #tpu.memory_space<semaphore_mem>>
    %dma_wait3A_169 = tpu.memref_squeeze %dma_wait3A_168 : memref<1x!tpu.dma_semaphore, #tpu.memory_space<semaphore_mem>> -> memref<!tpu.dma_semaphore, #tpu.memory_space<semaphore_mem>>
    tpu.wait_indirect_dma semaphore(%dma_wait3A_169 : memref<!tpu.dma_semaphore, #tpu.memory_space<semaphore_mem>>) src(%dma_wait3A_167 : memref<100000x128xf32, #tpu.memory_space<hbm>>) dst(%dma_wait3A_161 : memref<128x128xf32, #tpu.memory_space<vmem>>)
    %dma_wait3A_170 = arith.constant 0 : i32
    %dma_wait3A_171 = tpu.memref_slice %arg4[%mul3A_2, %dma_wait3A_170] : memref<8192x128xf32, #tpu.memory_space<hbm>> -> memref<256x128xf32, #tpu.memory_space<hbm>>
    %dma_wait3A_172 = arith.constant 0 : i32
    %dma_wait3A_173 = tpu.memref_slice %arg4[%mul3A_2, %dma_wait3A_172] : memref<8192x128xf32, #tpu.memory_space<hbm>> -> memref<256x128xf32, #tpu.memory_space<hbm>>
    tpu.wait_dma2 semaphore(%arg12 : memref<!tpu.dma_semaphore, #tpu.memory_space<semaphore_mem>>) src(%dma_wait3A_173 : memref<256x128xf32, #tpu.memory_space<hbm>>) dst(%arg8 : memref<256x128xf32, #tpu.memory_space<vmem>>)
    %scan3A = arith.constant 0 : i32
    %scan3A_174 = arith.constant 0 : i32
    %scan3A_175 = arith.constant 128 : i32
    %scan3A_176 = arith.addi %scan3A_174, %scan3A_175 : i32
    %scan3A_177 = arith.constant 1 : i32
    scf.for %scan3A_704 = %scan3A_174 to %scan3A_176 step %scan3A_177  : i32 {
      %add3A_705 = arith.constant 0 : i32
      %add3A_706 = arith.addi %add3A_705, %scan3A_704 : i32
      %get3A = arith.index_cast %add3A_706 : i32 to index
      %get3A_707 = arith.constant 0 : index
      %get3A_708 = tpu.vector_load %arg8[%get3A, %get3A_707] {strides = array<i32>} : memref<256x128xf32, #tpu.memory_space<vmem>>, vector<1x16xf32>,
      %get3A_709 = vector.shape_cast %get3A_708 : vector<1x16xf32> to vector<16xf32>
      %swap3A = arith.constant 0 : i32
      %swap3A_710 = arith.index_cast %swap3A : i32 to index
      %swap3A_711 = arith.index_cast %scan3A_704 : i32 to index
      %swap3A_712 = arith.constant 0 : index
      %swap3A_713 = tpu.vector_load %arg7[%swap3A_710, %swap3A_711, %swap3A_712] {strides = array<i32>} : memref<4x128x128xf32, #tpu.memory_space<vmem>>, vector<1x1x16xf32>,
      %swap3A_714 = vector.shape_cast %swap3A_713 : vector<1x1x16xf32> to vector<16xf32>
      %swap3A_715 = vector.shape_cast %get3A_709 : vector<16xf32> to vector<1x1x16xf32>
      tpu.vector_store %arg7[%swap3A_710, %swap3A_711, %swap3A_712], %swap3A_715 {add = true, strides = array<i32>} : memref<4x128x128xf32, #tpu.memory_space<vmem>>, vector<1x1x16xf32>,
      %add3A_716 = arith.constant 0 : i32
      %add3A_717 = arith.addi %add3A_716, %scan3A_704 : i32
      %get3A_718 = arith.index_cast %add3A_717 : i32 to index
      %get3A_719 = arith.constant 16 : index
      %get3A_720 = tpu.vector_load %arg8[%get3A_718, %get3A_719] {strides = array<i32>} : memref<256x128xf32, #tpu.memory_space<vmem>>, vector<1x16xf32>,
      %get3A_721 = vector.shape_cast %get3A_720 : vector<1x16xf32> to vector<16xf32>
      %swap3A_722 = arith.constant 0 : i32
      %swap3A_723 = arith.index_cast %swap3A_722 : i32 to index
      %swap3A_724 = arith.index_cast %scan3A_704 : i32 to index
      %swap3A_725 = arith.constant 16 : index
      %swap3A_726 = tpu.vector_load %arg7[%swap3A_723, %swap3A_724, %swap3A_725] {strides = array<i32>} : memref<4x128x128xf32, #tpu.memory_space<vmem>>, vector<1x1x16xf32>,
      %swap3A_727 = vector.shape_cast %swap3A_726 : vector<1x1x16xf32> to vector<16xf32>
      %swap3A_728 = vector.shape_cast %get3A_721 : vector<16xf32> to vector<1x1x16xf32>
      tpu.vector_store %arg7[%swap3A_723, %swap3A_724, %swap3A_725], %swap3A_728 {add = true, strides = array<i32>} : memref<4x128x128xf32, #tpu.memory_space<vmem>>, vector<1x1x16xf32>,
      %add3A_729 = arith.constant 0 : i32
      %add3A_730 = arith.addi %add3A_729, %scan3A_704 : i32
      %get3A_731 = arith.index_cast %add3A_730 : i32 to index
      %get3A_732 = arith.constant 32 : index
      %get3A_733 = tpu.vector_load %arg8[%get3A_731, %get3A_732] {strides = array<i32>} : memref<256x128xf32, #tpu.memory_space<vmem>>, vector<1x16xf32>,
      %get3A_734 = vector.shape_cast %get3A_733 : vector<1x16xf32> to vector<16xf32>
      %swap3A_735 = arith.constant 0 : i32
      %swap3A_736 = arith.index_cast %swap3A_735 : i32 to index
      %swap3A_737 = arith.index_cast %scan3A_704 : i32 to index
      %swap3A_738 = arith.constant 32 : index
      %swap3A_739 = tpu.vector_load %arg7[%swap3A_736, %swap3A_737, %swap3A_738] {strides = array<i32>} : memref<4x128x128xf32, #tpu.memory_space<vmem>>, vector<1x1x16xf32>,
      %swap3A_740 = vector.shape_cast %swap3A_739 : vector<1x1x16xf32> to vector<16xf32>
      %swap3A_741 = vector.shape_cast %get3A_734 : vector<16xf32> to vector<1x1x16xf32>
      tpu.vector_store %arg7[%swap3A_736, %swap3A_737, %swap3A_738], %swap3A_741 {add = true, strides = array<i32>} : memref<4x128x128xf32, #tpu.memory_space<vmem>>, vector<1x1x16xf32>,
      %add3A_742 = arith.constant 0 : i32
      %add3A_743 = arith.addi %add3A_742, %scan3A_704 : i32
      %get3A_744 = arith.index_cast %add3A_743 : i32 to index
      %get3A_745 = arith.constant 48 : index
      %get3A_746 = tpu.vector_load %arg8[%get3A_744, %get3A_745] {strides = array<i32>} : memref<256x128xf32, #tpu.memory_space<vmem>>, vector<1x16xf32>,
      %get3A_747 = vector.shape_cast %get3A_746 : vector<1x16xf32> to vector<16xf32>
      %swap3A_748 = arith.constant 0 : i32
      %swap3A_749 = arith.index_cast %swap3A_748 : i32 to index
      %swap3A_750 = arith.index_cast %scan3A_704 : i32 to index
      %swap3A_751 = arith.constant 48 : index
      %swap3A_752 = tpu.vector_load %arg7[%swap3A_749, %swap3A_750, %swap3A_751] {strides = array<i32>} : memref<4x128x128xf32, #tpu.memory_space<vmem>>, vector<1x1x16xf32>,
      %swap3A_753 = vector.shape_cast %swap3A_752 : vector<1x1x16xf32> to vector<16xf32>
      %swap3A_754 = vector.shape_cast %get3A_747 : vector<16xf32> to vector<1x1x16xf32>
      tpu.vector_store %arg7[%swap3A_749, %swap3A_750, %swap3A_751], %swap3A_754 {add = true, strides = array<i32>} : memref<4x128x128xf32, #tpu.memory_space<vmem>>, vector<1x1x16xf32>,
      %add3A_755 = arith.constant 0 : i32
      %add3A_756 = arith.addi %add3A_755, %scan3A_704 : i32
      %get3A_757 = arith.index_cast %add3A_756 : i32 to index
      %get3A_758 = arith.constant 64 : index
      %get3A_759 = tpu.vector_load %arg8[%get3A_757, %get3A_758] {strides = array<i32>} : memref<256x128xf32, #tpu.memory_space<vmem>>, vector<1x16xf32>,
      %get3A_760 = vector.shape_cast %get3A_759 : vector<1x16xf32> to vector<16xf32>
      %swap3A_761 = arith.constant 0 : i32
      %swap3A_762 = arith.index_cast %swap3A_761 : i32 to index
      %swap3A_763 = arith.index_cast %scan3A_704 : i32 to index
      %swap3A_764 = arith.constant 64 : index
      %swap3A_765 = tpu.vector_load %arg7[%swap3A_762, %swap3A_763, %swap3A_764] {strides = array<i32>} : memref<4x128x128xf32, #tpu.memory_space<vmem>>, vector<1x1x16xf32>,
      %swap3A_766 = vector.shape_cast %swap3A_765 : vector<1x1x16xf32> to vector<16xf32>
      %swap3A_767 = vector.shape_cast %get3A_760 : vector<16xf32> to vector<1x1x16xf32>
      tpu.vector_store %arg7[%swap3A_762, %swap3A_763, %swap3A_764], %swap3A_767 {add = true, strides = array<i32>} : memref<4x128x128xf32, #tpu.memory_space<vmem>>, vector<1x1x16xf32>,
      %add3A_768 = arith.constant 0 : i32
      %add3A_769 = arith.addi %add3A_768, %scan3A_704 : i32
      %get3A_770 = arith.index_cast %add3A_769 : i32 to index
      %get3A_771 = arith.constant 80 : index
      %get3A_772 = tpu.vector_load %arg8[%get3A_770, %get3A_771] {strides = array<i32>} : memref<256x128xf32, #tpu.memory_space<vmem>>, vector<1x16xf32>,
      %get3A_773 = vector.shape_cast %get3A_772 : vector<1x16xf32> to vector<16xf32>
      %swap3A_774 = arith.constant 0 : i32
      %swap3A_775 = arith.index_cast %swap3A_774 : i32 to index
      %swap3A_776 = arith.index_cast %scan3A_704 : i32 to index
      %swap3A_777 = arith.constant 80 : index
      %swap3A_778 = tpu.vector_load %arg7[%swap3A_775, %swap3A_776, %swap3A_777] {strides = array<i32>} : memref<4x128x128xf32, #tpu.memory_space<vmem>>, vector<1x1x16xf32>,
      %swap3A_779 = vector.shape_cast %swap3A_778 : vector<1x1x16xf32> to vector<16xf32>
      %swap3A_780 = vector.shape_cast %get3A_773 : vector<16xf32> to vector<1x1x16xf32>
      tpu.vector_store %arg7[%swap3A_775, %swap3A_776, %swap3A_777], %swap3A_780 {add = true, strides = array<i32>} : memref<4x128x128xf32, #tpu.memory_space<vmem>>, vector<1x1x16xf32>,
      %add3A_781 = arith.constant 0 : i32
      %add3A_782 = arith.addi %add3A_781, %scan3A_704 : i32
      %get3A_783 = arith.index_cast %add3A_782 : i32 to index
      %get3A_784 = arith.constant 96 : index
      %get3A_785 = tpu.vector_load %arg8[%get3A_783, %get3A_784] {strides = array<i32>} : memref<256x128xf32, #tpu.memory_space<vmem>>, vector<1x16xf32>,
      %get3A_786 = vector.shape_cast %get3A_785 : vector<1x16xf32> to vector<16xf32>
      %swap3A_787 = arith.constant 0 : i32
      %swap3A_788 = arith.index_cast %swap3A_787 : i32 to index
      %swap3A_789 = arith.index_cast %scan3A_704 : i32 to index
      %swap3A_790 = arith.constant 96 : index
      %swap3A_791 = tpu.vector_load %arg7[%swap3A_788, %swap3A_789, %swap3A_790] {strides = array<i32>} : memref<4x128x128xf32, #tpu.memory_space<vmem>>, vector<1x1x16xf32>,
      %swap3A_792 = vector.shape_cast %swap3A_791 : vector<1x1x16xf32> to vector<16xf32>
      %swap3A_793 = vector.shape_cast %get3A_786 : vector<16xf32> to vector<1x1x16xf32>
      tpu.vector_store %arg7[%swap3A_788, %swap3A_789, %swap3A_790], %swap3A_793 {add = true, strides = array<i32>} : memref<4x128x128xf32, #tpu.memory_space<vmem>>, vector<1x1x16xf32>,
      %add3A_794 = arith.constant 0 : i32
      %add3A_795 = arith.addi %add3A_794, %scan3A_704 : i32
      %get3A_796 = arith.index_cast %add3A_795 : i32 to index
      %get3A_797 = arith.constant 112 : index
      %get3A_798 = tpu.vector_load %arg8[%get3A_796, %get3A_797] {strides = array<i32>} : memref<256x128xf32, #tpu.memory_space<vmem>>, vector<1x16xf32>,
      %get3A_799 = vector.shape_cast %get3A_798 : vector<1x16xf32> to vector<16xf32>
      %swap3A_800 = arith.constant 0 : i32
      %swap3A_801 = arith.index_cast %swap3A_800 : i32 to index
      %swap3A_802 = arith.index_cast %scan3A_704 : i32 to index
      %swap3A_803 = arith.constant 112 : index
      %swap3A_804 = tpu.vector_load %arg7[%swap3A_801, %swap3A_802, %swap3A_803] {strides = array<i32>} : memref<4x128x128xf32, #tpu.memory_space<vmem>>, vector<1x1x16xf32>,
      %swap3A_805 = vector.shape_cast %swap3A_804 : vector<1x1x16xf32> to vector<16xf32>
      %swap3A_806 = vector.shape_cast %get3A_799 : vector<16xf32> to vector<1x1x16xf32>
      tpu.vector_store %arg7[%swap3A_801, %swap3A_802, %swap3A_803], %swap3A_806 {add = true, strides = array<i32>} : memref<4x128x128xf32, #tpu.memory_space<vmem>>, vector<1x1x16xf32>,
    }
    %scan3A_178 = arith.constant 128 : i32
    %add3A_179 = arith.constant 0 : i32
    %add3A_180 = arith.addi %add3A_179, %mul3A_2 : i32
    %add3A_181 = arith.constant 0 : i32
    %add3A_182 = arith.addi %add3A_180, %add3A_181 : i32
    %dma_start3A_183 = arith.constant 0 : i32
    %dma_start3A_184 = arith.constant 0 : i32
    %dma_start3A_185 = arith.constant 0 : i32
    %dma_start3A_186 = arith.constant 0 : i32
    %dma_start3A_187 = tpu.memref_slice %arg7[%dma_start3A_183, %dma_start3A_185, %dma_start3A_186] : memref<4x128x128xf32, #tpu.memory_space<vmem>> -> memref<1x128x128xf32, #tpu.memory_space<vmem>>
    %dma_start3A_188 = tpu.memref_squeeze %dma_start3A_187 : memref<1x128x128xf32, #tpu.memory_space<vmem>> -> memref<128x128xf32, #tpu.memory_space<vmem>>
    %dma_start3A_189 = arith.constant 0 : i32
    %dma_start3A_190 = tpu.memref_slice %arg5[%add3A_182, %dma_start3A_189] : memref<32768x128xf32, #tpu.memory_space<hbm>> -> memref<128x128xf32, #tpu.memory_space<hbm>>
    %dma_start3A_191 = tpu.memref_slice %arg10[%dma_start3A_184] : memref<4x!tpu.dma_semaphore, #tpu.memory_space<semaphore_mem>> -> memref<1x!tpu.dma_semaphore, #tpu.memory_space<semaphore_mem>>
    %dma_start3A_192 = tpu.memref_squeeze %dma_start3A_191 : memref<1x!tpu.dma_semaphore, #tpu.memory_space<semaphore_mem>> -> memref<!tpu.dma_semaphore, #tpu.memory_space<semaphore_mem>>
    %dma_start3A_193 = arith.constant 0 : i32
    %dma_start3A_194 = tpu.memref_slice %arg5[%add3A_182, %dma_start3A_193] : memref<32768x128xf32, #tpu.memory_space<hbm>> -> memref<128x128xf32, #tpu.memory_space<hbm>>
    %dma_start3A_195 = arith.constant 0 : i32
    %dma_start3A_196 = arith.constant 0 : i32
    %dma_start3A_197 = tpu.memref_slice %arg7[%dma_start3A_183, %dma_start3A_195, %dma_start3A_196] : memref<4x128x128xf32, #tpu.memory_space<vmem>> -> memref<1x128x128xf32, #tpu.memory_space<vmem>>
    %dma_start3A_198 = tpu.memref_squeeze %dma_start3A_197 : memref<1x128x128xf32, #tpu.memory_space<vmem>> -> memref<128x128xf32, #tpu.memory_space<vmem>>
    tpu.enqueue_dma source(%dma_start3A_198 : memref<128x128xf32, #tpu.memory_space<vmem>>) target(%dma_start3A_194 : memref<128x128xf32, #tpu.memory_space<hbm>>) target_semaphore(%dma_start3A_192 : memref<!tpu.dma_semaphore, #tpu.memory_space<semaphore_mem>>)
    %dma_wait3A_199 = arith.constant 0 : i32
    %dma_wait3A_200 = arith.constant 0 : i32
    %dma_wait3A_201 = arith.constant 0 : i32
    %dma_wait3A_202 = arith.constant 0 : i32
    %dma_wait3A_203 = tpu.memref_slice %arg7[%dma_wait3A_199, %dma_wait3A_201, %dma_wait3A_202] : memref<4x128x128xf32, #tpu.memory_space<vmem>> -> memref<1x128x128xf32, #tpu.memory_space<vmem>>
    %dma_wait3A_204 = tpu.memref_squeeze %dma_wait3A_203 : memref<1x128x128xf32, #tpu.memory_space<vmem>> -> memref<128x128xf32, #tpu.memory_space<vmem>>
    %dma_wait3A_205 = arith.constant 0 : i32
    %dma_wait3A_206 = tpu.memref_slice %arg5[%add3A_182, %dma_wait3A_205] : memref<32768x128xf32, #tpu.memory_space<hbm>> -> memref<128x128xf32, #tpu.memory_space<hbm>>
    %dma_wait3A_207 = tpu.memref_slice %arg10[%dma_wait3A_200] : memref<4x!tpu.dma_semaphore, #tpu.memory_space<semaphore_mem>> -> memref<1x!tpu.dma_semaphore, #tpu.memory_space<semaphore_mem>>
    %dma_wait3A_208 = tpu.memref_squeeze %dma_wait3A_207 : memref<1x!tpu.dma_semaphore, #tpu.memory_space<semaphore_mem>> -> memref<!tpu.dma_semaphore, #tpu.memory_space<semaphore_mem>>
    %dma_wait3A_209 = arith.constant 0 : i32
    %dma_wait3A_210 = tpu.memref_slice %arg5[%add3A_182, %dma_wait3A_209] : memref<32768x128xf32, #tpu.memory_space<hbm>> -> memref<128x128xf32, #tpu.memory_space<hbm>>
    %dma_wait3A_211 = arith.constant 0 : i32
    %dma_wait3A_212 = arith.constant 0 : i32
    %dma_wait3A_213 = tpu.memref_slice %arg7[%dma_wait3A_199, %dma_wait3A_211, %dma_wait3A_212] : memref<4x128x128xf32, #tpu.memory_space<vmem>> -> memref<1x128x128xf32, #tpu.memory_space<vmem>>
    %dma_wait3A_214 = tpu.memref_squeeze %dma_wait3A_213 : memref<1x128x128xf32, #tpu.memory_space<vmem>> -> memref<128x128xf32, #tpu.memory_space<vmem>>
    tpu.wait_dma2 semaphore(%dma_wait3A_208 : memref<!tpu.dma_semaphore, #tpu.memory_space<semaphore_mem>>) src(%dma_wait3A_214 : memref<128x128xf32, #tpu.memory_space<vmem>>) dst(%dma_wait3A_210 : memref<128x128xf32, #tpu.memory_space<hbm>>)
    %dma_wait3A_215 = arith.constant 2 : i32
    %dma_wait3A_216 = arith.constant 2 : i32
    %dma_wait3A_217 = arith.constant 2 : i32
    %dma_wait3A_218 = arith.constant 0 : i32
    %dma_wait3A_219 = tpu.memref_slice %arg6[%dma_wait3A_216, %dma_wait3A_218] : memref<4x256xi32, #tpu.memory_space<vmem>> -> memref<1x256xi32, #tpu.memory_space<vmem>>
    %dma_wait3A_220 = tpu.memref_squeeze %dma_wait3A_219 : memref<1x256xi32, #tpu.memory_space<vmem>> -> memref<256xi32, #tpu.memory_space<vmem>>
    %dma_wait3A_221 = tpu.memref_slice %arg2[%dma_wait3A_215, %mul3A_2] : memref<4x8192xi32, #tpu.memory_space<hbm>> -> memref<1x256xi32, #tpu.memory_space<hbm>>
    %dma_wait3A_222 = tpu.memref_squeeze %dma_wait3A_221 : memref<1x256xi32, #tpu.memory_space<hbm>> -> memref<256xi32, #tpu.memory_space<hbm>>
    %dma_wait3A_223 = tpu.memref_slice %arg11[%dma_wait3A_217] : memref<4x!tpu.dma_semaphore, #tpu.memory_space<semaphore_mem>> -> memref<1x!tpu.dma_semaphore, #tpu.memory_space<semaphore_mem>>
    %dma_wait3A_224 = tpu.memref_squeeze %dma_wait3A_223 : memref<1x!tpu.dma_semaphore, #tpu.memory_space<semaphore_mem>> -> memref<!tpu.dma_semaphore, #tpu.memory_space<semaphore_mem>>
    %dma_wait3A_225 = arith.constant 0 : i32
    %dma_wait3A_226 = tpu.memref_slice %arg6[%dma_wait3A_216, %dma_wait3A_225] : memref<4x256xi32, #tpu.memory_space<vmem>> -> memref<1x256xi32, #tpu.memory_space<vmem>>
    %dma_wait3A_227 = tpu.memref_squeeze %dma_wait3A_226 : memref<1x256xi32, #tpu.memory_space<vmem>> -> memref<256xi32, #tpu.memory_space<vmem>>
    %dma_wait3A_228 = tpu.memref_slice %arg2[%dma_wait3A_215, %mul3A_2] : memref<4x8192xi32, #tpu.memory_space<hbm>> -> memref<1x256xi32, #tpu.memory_space<hbm>>
    %dma_wait3A_229 = tpu.memref_squeeze %dma_wait3A_228 : memref<1x256xi32, #tpu.memory_space<hbm>> -> memref<256xi32, #tpu.memory_space<hbm>>
    tpu.wait_dma2 semaphore(%dma_wait3A_224 : memref<!tpu.dma_semaphore, #tpu.memory_space<semaphore_mem>>) src(%dma_wait3A_229 : memref<256xi32, #tpu.memory_space<hbm>>) dst(%dma_wait3A_227 : memref<256xi32, #tpu.memory_space<vmem>>)
    %dma_start3A_230 = arith.constant 2 : i32
    %dma_start3A_231 = arith.constant 0 : i32
    %dma_start3A_232 = arith.constant 0 : i32
    %dma_start3A_233 = arith.constant 0 : i32
    %dma_start3A_234 = arith.constant 0 : i32
    %dma_start3A_235 = tpu.memref_slice %arg7[%dma_start3A_231, %dma_start3A_233, %dma_start3A_234] : memref<4x128x128xf32, #tpu.memory_space<vmem>> -> memref<1x128x128xf32, #tpu.memory_space<vmem>>
    %dma_start3A_236 = tpu.memref_squeeze %dma_start3A_235 : memref<1x128x128xf32, #tpu.memory_space<vmem>> -> memref<128x128xf32, #tpu.memory_space<vmem>>
    %dma_start3A_237 = arith.constant 0 : i32
    %dma_start3A_238 = tpu.memref_slice %arg6[%dma_start3A_230, %dma_start3A_237] : memref<4x256xi32, #tpu.memory_space<vmem>> -> memref<1x128xi32, #tpu.memory_space<vmem>>
    %dma_start3A_239 = tpu.memref_squeeze %dma_start3A_238 : memref<1x128xi32, #tpu.memory_space<vmem>> -> memref<128xi32, #tpu.memory_space<vmem>>
    %dma_start3A_240 = arith.constant 0 : i32
    %dma_start3A_241 = arith.constant 0 : i32
    %dma_start3A_242 = tpu.memref_slice %arg3[%dma_start3A_240, %dma_start3A_241] : memref<100000x128xf32, #tpu.memory_space<hbm>> -> memref<100000x128xf32, #tpu.memory_space<hbm>>
    %dma_start3A_243 = tpu.memref_slice %arg9[%dma_start3A_232] : memref<4x!tpu.dma_semaphore, #tpu.memory_space<semaphore_mem>> -> memref<1x!tpu.dma_semaphore, #tpu.memory_space<semaphore_mem>>
    %dma_start3A_244 = tpu.memref_squeeze %dma_start3A_243 : memref<1x!tpu.dma_semaphore, #tpu.memory_space<semaphore_mem>> -> memref<!tpu.dma_semaphore, #tpu.memory_space<semaphore_mem>>
    tpu.enqueue_indirect_dma source(%dma_start3A_242 : memref<100000x128xf32, #tpu.memory_space<hbm>>) target(%dma_start3A_236 : memref<128x128xf32, #tpu.memory_space<vmem>>) offsets(%dma_start3A_239 : memref<128xi32, #tpu.memory_space<vmem>>) semaphore(%dma_start3A_244 : memref<!tpu.dma_semaphore, #tpu.memory_space<semaphore_mem>>)
    %dma_wait3A_245 = arith.constant 0 : i32
    %dma_wait3A_246 = arith.constant 1 : i32
    %dma_wait3A_247 = arith.constant 1 : i32
    %dma_wait3A_248 = arith.constant 0 : i32
    %dma_wait3A_249 = arith.constant 0 : i32
    %dma_wait3A_250 = tpu.memref_slice %arg7[%dma_wait3A_246, %dma_wait3A_248, %dma_wait3A_249] : memref<4x128x128xf32, #tpu.memory_space<vmem>> -> memref<1x128x128xf32, #tpu.memory_space<vmem>>
    %dma_wait3A_251 = tpu.memref_squeeze %dma_wait3A_250 : memref<1x128x128xf32, #tpu.memory_space<vmem>> -> memref<128x128xf32, #tpu.memory_space<vmem>>
    %dma_wait3A_252 = arith.constant 128 : i32
    %dma_wait3A_253 = tpu.memref_slice %arg6[%dma_wait3A_245, %dma_wait3A_252] : memref<4x256xi32, #tpu.memory_space<vmem>> -> memref<1x128xi32, #tpu.memory_space<vmem>>
    %dma_wait3A_254 = tpu.memref_squeeze %dma_wait3A_253 : memref<1x128xi32, #tpu.memory_space<vmem>> -> memref<128xi32, #tpu.memory_space<vmem>>
    %dma_wait3A_255 = arith.constant 0 : i32
    %dma_wait3A_256 = arith.constant 0 : i32
    %dma_wait3A_257 = tpu.memref_slice %arg3[%dma_wait3A_255, %dma_wait3A_256] : memref<100000x128xf32, #tpu.memory_space<hbm>> -> memref<100000x128xf32, #tpu.memory_space<hbm>>
    %dma_wait3A_258 = tpu.memref_slice %arg9[%dma_wait3A_247] : memref<4x!tpu.dma_semaphore, #tpu.memory_space<semaphore_mem>> -> memref<1x!tpu.dma_semaphore, #tpu.memory_space<semaphore_mem>>
    %dma_wait3A_259 = tpu.memref_squeeze %dma_wait3A_258 : memref<1x!tpu.dma_semaphore, #tpu.memory_space<semaphore_mem>> -> memref<!tpu.dma_semaphore, #tpu.memory_space<semaphore_mem>>
    tpu.wait_indirect_dma semaphore(%dma_wait3A_259 : memref<!tpu.dma_semaphore, #tpu.memory_space<semaphore_mem>>) src(%dma_wait3A_257 : memref<100000x128xf32, #tpu.memory_space<hbm>>) dst(%dma_wait3A_251 : memref<128x128xf32, #tpu.memory_space<vmem>>)
    %scan3A_260 = arith.constant 0 : i32
    %scan3A_261 = arith.constant 0 : i32
    %scan3A_262 = arith.constant 128 : i32
    %scan3A_263 = arith.addi %scan3A_261, %scan3A_262 : i32
    %scan3A_264 = arith.constant 1 : i32
    scf.for %scan3A_704 = %scan3A_261 to %scan3A_263 step %scan3A_264  : i32 {
      %add3A_705 = arith.constant 128 : i32
      %add3A_706 = arith.addi %add3A_705, %scan3A_704 : i32
      %get3A = arith.index_cast %add3A_706 : i32 to index
      %get3A_707 = arith.constant 0 : index
      %get3A_708 = tpu.vector_load %arg8[%get3A, %get3A_707] {strides = array<i32>} : memref<256x128xf32, #tpu.memory_space<vmem>>, vector<1x16xf32>,
      %get3A_709 = vector.shape_cast %get3A_708 : vector<1x16xf32> to vector<16xf32>
      %swap3A = arith.constant 1 : i32
      %swap3A_710 = arith.index_cast %swap3A : i32 to index
      %swap3A_711 = arith.index_cast %scan3A_704 : i32 to index
      %swap3A_712 = arith.constant 0 : index
      %swap3A_713 = tpu.vector_load %arg7[%swap3A_710, %swap3A_711, %swap3A_712] {strides = array<i32>} : memref<4x128x128xf32, #tpu.memory_space<vmem>>, vector<1x1x16xf32>,
      %swap3A_714 = vector.shape_cast %swap3A_713 : vector<1x1x16xf32> to vector<16xf32>
      %swap3A_715 = vector.shape_cast %get3A_709 : vector<16xf32> to vector<1x1x16xf32>
      tpu.vector_store %arg7[%swap3A_710, %swap3A_711, %swap3A_712], %swap3A_715 {add = true, strides = array<i32>} : memref<4x128x128xf32, #tpu.memory_space<vmem>>, vector<1x1x16xf32>,
      %add3A_716 = arith.constant 128 : i32
      %add3A_717 = arith.addi %add3A_716, %scan3A_704 : i32
      %get3A_718 = arith.index_cast %add3A_717 : i32 to index
      %get3A_719 = arith.constant 16 : index
      %get3A_720 = tpu.vector_load %arg8[%get3A_718, %get3A_719] {strides = array<i32>} : memref<256x128xf32, #tpu.memory_space<vmem>>, vector<1x16xf32>,
      %get3A_721 = vector.shape_cast %get3A_720 : vector<1x16xf32> to vector<16xf32>
      %swap3A_722 = arith.constant 1 : i32
      %swap3A_723 = arith.index_cast %swap3A_722 : i32 to index
      %swap3A_724 = arith.index_cast %scan3A_704 : i32 to index
      %swap3A_725 = arith.constant 16 : index
      %swap3A_726 = tpu.vector_load %arg7[%swap3A_723, %swap3A_724, %swap3A_725] {strides = array<i32>} : memref<4x128x128xf32, #tpu.memory_space<vmem>>, vector<1x1x16xf32>,
      %swap3A_727 = vector.shape_cast %swap3A_726 : vector<1x1x16xf32> to vector<16xf32>
      %swap3A_728 = vector.shape_cast %get3A_721 : vector<16xf32> to vector<1x1x16xf32>
      tpu.vector_store %arg7[%swap3A_723, %swap3A_724, %swap3A_725], %swap3A_728 {add = true, strides = array<i32>} : memref<4x128x128xf32, #tpu.memory_space<vmem>>, vector<1x1x16xf32>,
      %add3A_729 = arith.constant 128 : i32
      %add3A_730 = arith.addi %add3A_729, %scan3A_704 : i32
      %get3A_731 = arith.index_cast %add3A_730 : i32 to index
      %get3A_732 = arith.constant 32 : index
      %get3A_733 = tpu.vector_load %arg8[%get3A_731, %get3A_732] {strides = array<i32>} : memref<256x128xf32, #tpu.memory_space<vmem>>, vector<1x16xf32>,
      %get3A_734 = vector.shape_cast %get3A_733 : vector<1x16xf32> to vector<16xf32>
      %swap3A_735 = arith.constant 1 : i32
      %swap3A_736 = arith.index_cast %swap3A_735 : i32 to index
      %swap3A_737 = arith.index_cast %scan3A_704 : i32 to index
      %swap3A_738 = arith.constant 32 : index
      %swap3A_739 = tpu.vector_load %arg7[%swap3A_736, %swap3A_737, %swap3A_738] {strides = array<i32>} : memref<4x128x128xf32, #tpu.memory_space<vmem>>, vector<1x1x16xf32>,
      %swap3A_740 = vector.shape_cast %swap3A_739 : vector<1x1x16xf32> to vector<16xf32>
      %swap3A_741 = vector.shape_cast %get3A_734 : vector<16xf32> to vector<1x1x16xf32>
      tpu.vector_store %arg7[%swap3A_736, %swap3A_737, %swap3A_738], %swap3A_741 {add = true, strides = array<i32>} : memref<4x128x128xf32, #tpu.memory_space<vmem>>, vector<1x1x16xf32>,
      %add3A_742 = arith.constant 128 : i32
      %add3A_743 = arith.addi %add3A_742, %scan3A_704 : i32
      %get3A_744 = arith.index_cast %add3A_743 : i32 to index
      %get3A_745 = arith.constant 48 : index
      %get3A_746 = tpu.vector_load %arg8[%get3A_744, %get3A_745] {strides = array<i32>} : memref<256x128xf32, #tpu.memory_space<vmem>>, vector<1x16xf32>,
      %get3A_747 = vector.shape_cast %get3A_746 : vector<1x16xf32> to vector<16xf32>
      %swap3A_748 = arith.constant 1 : i32
      %swap3A_749 = arith.index_cast %swap3A_748 : i32 to index
      %swap3A_750 = arith.index_cast %scan3A_704 : i32 to index
      %swap3A_751 = arith.constant 48 : index
      %swap3A_752 = tpu.vector_load %arg7[%swap3A_749, %swap3A_750, %swap3A_751] {strides = array<i32>} : memref<4x128x128xf32, #tpu.memory_space<vmem>>, vector<1x1x16xf32>,
      %swap3A_753 = vector.shape_cast %swap3A_752 : vector<1x1x16xf32> to vector<16xf32>
      %swap3A_754 = vector.shape_cast %get3A_747 : vector<16xf32> to vector<1x1x16xf32>
      tpu.vector_store %arg7[%swap3A_749, %swap3A_750, %swap3A_751], %swap3A_754 {add = true, strides = array<i32>} : memref<4x128x128xf32, #tpu.memory_space<vmem>>, vector<1x1x16xf32>,
      %add3A_755 = arith.constant 128 : i32
      %add3A_756 = arith.addi %add3A_755, %scan3A_704 : i32
      %get3A_757 = arith.index_cast %add3A_756 : i32 to index
      %get3A_758 = arith.constant 64 : index
      %get3A_759 = tpu.vector_load %arg8[%get3A_757, %get3A_758] {strides = array<i32>} : memref<256x128xf32, #tpu.memory_space<vmem>>, vector<1x16xf32>,
      %get3A_760 = vector.shape_cast %get3A_759 : vector<1x16xf32> to vector<16xf32>
      %swap3A_761 = arith.constant 1 : i32
      %swap3A_762 = arith.index_cast %swap3A_761 : i32 to index
      %swap3A_763 = arith.index_cast %scan3A_704 : i32 to index
      %swap3A_764 = arith.constant 64 : index
      %swap3A_765 = tpu.vector_load %arg7[%swap3A_762, %swap3A_763, %swap3A_764] {strides = array<i32>} : memref<4x128x128xf32, #tpu.memory_space<vmem>>, vector<1x1x16xf32>,
      %swap3A_766 = vector.shape_cast %swap3A_765 : vector<1x1x16xf32> to vector<16xf32>
      %swap3A_767 = vector.shape_cast %get3A_760 : vector<16xf32> to vector<1x1x16xf32>
      tpu.vector_store %arg7[%swap3A_762, %swap3A_763, %swap3A_764], %swap3A_767 {add = true, strides = array<i32>} : memref<4x128x128xf32, #tpu.memory_space<vmem>>, vector<1x1x16xf32>,
      %add3A_768 = arith.constant 128 : i32
      %add3A_769 = arith.addi %add3A_768, %scan3A_704 : i32
      %get3A_770 = arith.index_cast %add3A_769 : i32 to index
      %get3A_771 = arith.constant 80 : index
      %get3A_772 = tpu.vector_load %arg8[%get3A_770, %get3A_771] {strides = array<i32>} : memref<256x128xf32, #tpu.memory_space<vmem>>, vector<1x16xf32>,
      %get3A_773 = vector.shape_cast %get3A_772 : vector<1x16xf32> to vector<16xf32>
      %swap3A_774 = arith.constant 1 : i32
      %swap3A_775 = arith.index_cast %swap3A_774 : i32 to index
      %swap3A_776 = arith.index_cast %scan3A_704 : i32 to index
      %swap3A_777 = arith.constant 80 : index
      %swap3A_778 = tpu.vector_load %arg7[%swap3A_775, %swap3A_776, %swap3A_777] {strides = array<i32>} : memref<4x128x128xf32, #tpu.memory_space<vmem>>, vector<1x1x16xf32>,
      %swap3A_779 = vector.shape_cast %swap3A_778 : vector<1x1x16xf32> to vector<16xf32>
      %swap3A_780 = vector.shape_cast %get3A_773 : vector<16xf32> to vector<1x1x16xf32>
      tpu.vector_store %arg7[%swap3A_775, %swap3A_776, %swap3A_777], %swap3A_780 {add = true, strides = array<i32>} : memref<4x128x128xf32, #tpu.memory_space<vmem>>, vector<1x1x16xf32>,
      %add3A_781 = arith.constant 128 : i32
      %add3A_782 = arith.addi %add3A_781, %scan3A_704 : i32
      %get3A_783 = arith.index_cast %add3A_782 : i32 to index
      %get3A_784 = arith.constant 96 : index
      %get3A_785 = tpu.vector_load %arg8[%get3A_783, %get3A_784] {strides = array<i32>} : memref<256x128xf32, #tpu.memory_space<vmem>>, vector<1x16xf32>,
      %get3A_786 = vector.shape_cast %get3A_785 : vector<1x16xf32> to vector<16xf32>
      %swap3A_787 = arith.constant 1 : i32
      %swap3A_788 = arith.index_cast %swap3A_787 : i32 to index
      %swap3A_789 = arith.index_cast %scan3A_704 : i32 to index
      %swap3A_790 = arith.constant 96 : index
      %swap3A_791 = tpu.vector_load %arg7[%swap3A_788, %swap3A_789, %swap3A_790] {strides = array<i32>} : memref<4x128x128xf32, #tpu.memory_space<vmem>>, vector<1x1x16xf32>,
      %swap3A_792 = vector.shape_cast %swap3A_791 : vector<1x1x16xf32> to vector<16xf32>
      %swap3A_793 = vector.shape_cast %get3A_786 : vector<16xf32> to vector<1x1x16xf32>
      tpu.vector_store %arg7[%swap3A_788, %swap3A_789, %swap3A_790], %swap3A_793 {add = true, strides = array<i32>} : memref<4x128x128xf32, #tpu.memory_space<vmem>>, vector<1x1x16xf32>,
      %add3A_794 = arith.constant 128 : i32
      %add3A_795 = arith.addi %add3A_794, %scan3A_704 : i32
      %get3A_796 = arith.index_cast %add3A_795 : i32 to index
      %get3A_797 = arith.constant 112 : index
      %get3A_798 = tpu.vector_load %arg8[%get3A_796, %get3A_797] {strides = array<i32>} : memref<256x128xf32, #tpu.memory_space<vmem>>, vector<1x16xf32>,
      %get3A_799 = vector.shape_cast %get3A_798 : vector<1x16xf32> to vector<16xf32>
      %swap3A_800 = arith.constant 1 : i32
      %swap3A_801 = arith.index_cast %swap3A_800 : i32 to index
      %swap3A_802 = arith.index_cast %scan3A_704 : i32 to index
      %swap3A_803 = arith.constant 112 : index
      %swap3A_804 = tpu.vector_load %arg7[%swap3A_801, %swap3A_802, %swap3A_803] {strides = array<i32>} : memref<4x128x128xf32, #tpu.memory_space<vmem>>, vector<1x1x16xf32>,
      %swap3A_805 = vector.shape_cast %swap3A_804 : vector<1x1x16xf32> to vector<16xf32>
      %swap3A_806 = vector.shape_cast %get3A_799 : vector<16xf32> to vector<1x1x16xf32>
      tpu.vector_store %arg7[%swap3A_801, %swap3A_802, %swap3A_803], %swap3A_806 {add = true, strides = array<i32>} : memref<4x128x128xf32, #tpu.memory_space<vmem>>, vector<1x1x16xf32>,
    }
    %scan3A_265 = arith.constant 128 : i32
    %add3A_266 = arith.constant 0 : i32
    %add3A_267 = arith.addi %add3A_266, %mul3A_2 : i32
    %add3A_268 = arith.constant 128 : i32
    %add3A_269 = arith.addi %add3A_267, %add3A_268 : i32
    %dma_start3A_270 = arith.constant 1 : i32
    %dma_start3A_271 = arith.constant 1 : i32
    %dma_start3A_272 = arith.constant 0 : i32
    %dma_start3A_273 = arith.constant 0 : i32
    %dma_start3A_274 = tpu.memref_slice %arg7[%dma_start3A_270, %dma_start3A_272, %dma_start3A_273] : memref<4x128x128xf32, #tpu.memory_space<vmem>> -> memref<1x128x128xf32, #tpu.memory_space<vmem>>
    %dma_start3A_275 = tpu.memref_squeeze %dma_start3A_274 : memref<1x128x128xf32, #tpu.memory_space<vmem>> -> memref<128x128xf32, #tpu.memory_space<vmem>>
    %dma_start3A_276 = arith.constant 0 : i32
    %dma_start3A_277 = tpu.memref_slice %arg5[%add3A_269, %dma_start3A_276] : memref<32768x128xf32, #tpu.memory_space<hbm>> -> memref<128x128xf32, #tpu.memory_space<hbm>>
    %dma_start3A_278 = tpu.memref_slice %arg10[%dma_start3A_271] : memref<4x!tpu.dma_semaphore, #tpu.memory_space<semaphore_mem>> -> memref<1x!tpu.dma_semaphore, #tpu.memory_space<semaphore_mem>>
    %dma_start3A_279 = tpu.memref_squeeze %dma_start3A_278 : memref<1x!tpu.dma_semaphore, #tpu.memory_space<semaphore_mem>> -> memref<!tpu.dma_semaphore, #tpu.memory_space<semaphore_mem>>
    %dma_start3A_280 = arith.constant 0 : i32
    %dma_start3A_281 = tpu.memref_slice %arg5[%add3A_269, %dma_start3A_280] : memref<32768x128xf32, #tpu.memory_space<hbm>> -> memref<128x128xf32, #tpu.memory_space<hbm>>
    %dma_start3A_282 = arith.constant 0 : i32
    %dma_start3A_283 = arith.constant 0 : i32
    %dma_start3A_284 = tpu.memref_slice %arg7[%dma_start3A_270, %dma_start3A_282, %dma_start3A_283] : memref<4x128x128xf32, #tpu.memory_space<vmem>> -> memref<1x128x128xf32, #tpu.memory_space<vmem>>
    %dma_start3A_285 = tpu.memref_squeeze %dma_start3A_284 : memref<1x128x128xf32, #tpu.memory_space<vmem>> -> memref<128x128xf32, #tpu.memory_space<vmem>>
    tpu.enqueue_dma source(%dma_start3A_285 : memref<128x128xf32, #tpu.memory_space<vmem>>) target(%dma_start3A_281 : memref<128x128xf32, #tpu.memory_space<hbm>>) target_semaphore(%dma_start3A_279 : memref<!tpu.dma_semaphore, #tpu.memory_space<semaphore_mem>>)
    %dma_wait3A_286 = arith.constant 1 : i32
    %dma_wait3A_287 = arith.constant 1 : i32
    %dma_wait3A_288 = arith.constant 0 : i32
    %dma_wait3A_289 = arith.constant 0 : i32
    %dma_wait3A_290 = tpu.memref_slice %arg7[%dma_wait3A_286, %dma_wait3A_288, %dma_wait3A_289] : memref<4x128x128xf32, #tpu.memory_space<vmem>> -> memref<1x128x128xf32, #tpu.memory_space<vmem>>
    %dma_wait3A_291 = tpu.memref_squeeze %dma_wait3A_290 : memref<1x128x128xf32, #tpu.memory_space<vmem>> -> memref<128x128xf32, #tpu.memory_space<vmem>>
    %dma_wait3A_292 = arith.constant 0 : i32
    %dma_wait3A_293 = tpu.memref_slice %arg5[%add3A_269, %dma_wait3A_292] : memref<32768x128xf32, #tpu.memory_space<hbm>> -> memref<128x128xf32, #tpu.memory_space<hbm>>
    %dma_wait3A_294 = tpu.memref_slice %arg10[%dma_wait3A_287] : memref<4x!tpu.dma_semaphore, #tpu.memory_space<semaphore_mem>> -> memref<1x!tpu.dma_semaphore, #tpu.memory_space<semaphore_mem>>
    %dma_wait3A_295 = tpu.memref_squeeze %dma_wait3A_294 : memref<1x!tpu.dma_semaphore, #tpu.memory_space<semaphore_mem>> -> memref<!tpu.dma_semaphore, #tpu.memory_space<semaphore_mem>>
    %dma_wait3A_296 = arith.constant 0 : i32
    %dma_wait3A_297 = tpu.memref_slice %arg5[%add3A_269, %dma_wait3A_296] : memref<32768x128xf32, #tpu.memory_space<hbm>> -> memref<128x128xf32, #tpu.memory_space<hbm>>
    %dma_wait3A_298 = arith.constant 0 : i32
    %dma_wait3A_299 = arith.constant 0 : i32
    %dma_wait3A_300 = tpu.memref_slice %arg7[%dma_wait3A_286, %dma_wait3A_298, %dma_wait3A_299] : memref<4x128x128xf32, #tpu.memory_space<vmem>> -> memref<1x128x128xf32, #tpu.memory_space<vmem>>
    %dma_wait3A_301 = tpu.memref_squeeze %dma_wait3A_300 : memref<1x128x128xf32, #tpu.memory_space<vmem>> -> memref<128x128xf32, #tpu.memory_space<vmem>>
    tpu.wait_dma2 semaphore(%dma_wait3A_295 : memref<!tpu.dma_semaphore, #tpu.memory_space<semaphore_mem>>) src(%dma_wait3A_301 : memref<128x128xf32, #tpu.memory_space<vmem>>) dst(%dma_wait3A_297 : memref<128x128xf32, #tpu.memory_space<hbm>>)
    %dma_start3A_302 = arith.constant 2 : i32
    %dma_start3A_303 = arith.constant 1 : i32
    %dma_start3A_304 = arith.constant 1 : i32
    %dma_start3A_305 = arith.constant 0 : i32
    %dma_start3A_306 = arith.constant 0 : i32
    %dma_start3A_307 = tpu.memref_slice %arg7[%dma_start3A_303, %dma_start3A_305, %dma_start3A_306] : memref<4x128x128xf32, #tpu.memory_space<vmem>> -> memref<1x128x128xf32, #tpu.memory_space<vmem>>
    %dma_start3A_308 = tpu.memref_squeeze %dma_start3A_307 : memref<1x128x128xf32, #tpu.memory_space<vmem>> -> memref<128x128xf32, #tpu.memory_space<vmem>>
    %dma_start3A_309 = arith.constant 128 : i32
    %dma_start3A_310 = tpu.memref_slice %arg6[%dma_start3A_302, %dma_start3A_309] : memref<4x256xi32, #tpu.memory_space<vmem>> -> memref<1x128xi32, #tpu.memory_space<vmem>>
    %dma_start3A_311 = tpu.memref_squeeze %dma_start3A_310 : memref<1x128xi32, #tpu.memory_space<vmem>> -> memref<128xi32, #tpu.memory_space<vmem>>
    %dma_start3A_312 = arith.constant 0 : i32
    %dma_start3A_313 = arith.constant 0 : i32
    %dma_start3A_314 = tpu.memref_slice %arg3[%dma_start3A_312, %dma_start3A_313] : memref<100000x128xf32, #tpu.memory_space<hbm>> -> memref<100000x128xf32, #tpu.memory_space<hbm>>
    %dma_start3A_315 = tpu.memref_slice %arg9[%dma_start3A_304] : memref<4x!tpu.dma_semaphore, #tpu.memory_space<semaphore_mem>> -> memref<1x!tpu.dma_semaphore, #tpu.memory_space<semaphore_mem>>
    %dma_start3A_316 = tpu.memref_squeeze %dma_start3A_315 : memref<1x!tpu.dma_semaphore, #tpu.memory_space<semaphore_mem>> -> memref<!tpu.dma_semaphore, #tpu.memory_space<semaphore_mem>>
    tpu.enqueue_indirect_dma source(%dma_start3A_314 : memref<100000x128xf32, #tpu.memory_space<hbm>>) target(%dma_start3A_308 : memref<128x128xf32, #tpu.memory_space<vmem>>) offsets(%dma_start3A_311 : memref<128xi32, #tpu.memory_space<vmem>>) semaphore(%dma_start3A_316 : memref<!tpu.dma_semaphore, #tpu.memory_space<semaphore_mem>>)
    %dma_wait3A_317 = arith.constant 1 : i32
    %dma_wait3A_318 = arith.constant 2 : i32
    %dma_wait3A_319 = arith.constant 2 : i32
    %dma_wait3A_320 = arith.constant 0 : i32
    %dma_wait3A_321 = arith.constant 0 : i32
    %dma_wait3A_322 = tpu.memref_slice %arg7[%dma_wait3A_318, %dma_wait3A_320, %dma_wait3A_321] : memref<4x128x128xf32, #tpu.memory_space<vmem>> -> memref<1x128x128xf32, #tpu.memory_space<vmem>>
    %dma_wait3A_323 = tpu.memref_squeeze %dma_wait3A_322 : memref<1x128x128xf32, #tpu.memory_space<vmem>> -> memref<128x128xf32, #tpu.memory_space<vmem>>
    %dma_wait3A_324 = arith.constant 0 : i32
    %dma_wait3A_325 = tpu.memref_slice %arg6[%dma_wait3A_317, %dma_wait3A_324] : memref<4x256xi32, #tpu.memory_space<vmem>> -> memref<1x128xi32, #tpu.memory_space<vmem>>
    %dma_wait3A_326 = tpu.memref_squeeze %dma_wait3A_325 : memref<1x128xi32, #tpu.memory_space<vmem>> -> memref<128xi32, #tpu.memory_space<vmem>>
    %dma_wait3A_327 = arith.constant 0 : i32
    %dma_wait3A_328 = arith.constant 0 : i32
    %dma_wait3A_329 = tpu.memref_slice %arg3[%dma_wait3A_327, %dma_wait3A_328] : memref<100000x128xf32, #tpu.memory_space<hbm>> -> memref<100000x128xf32, #tpu.memory_space<hbm>>
    %dma_wait3A_330 = tpu.memref_slice %arg9[%dma_wait3A_319] : memref<4x!tpu.dma_semaphore, #tpu.memory_space<semaphore_mem>> -> memref<1x!tpu.dma_semaphore, #tpu.memory_space<semaphore_mem>>
    %dma_wait3A_331 = tpu.memref_squeeze %dma_wait3A_330 : memref<1x!tpu.dma_semaphore, #tpu.memory_space<semaphore_mem>> -> memref<!tpu.dma_semaphore, #tpu.memory_space<semaphore_mem>>
    tpu.wait_indirect_dma semaphore(%dma_wait3A_331 : memref<!tpu.dma_semaphore, #tpu.memory_space<semaphore_mem>>) src(%dma_wait3A_329 : memref<100000x128xf32, #tpu.memory_space<hbm>>) dst(%dma_wait3A_323 : memref<128x128xf32, #tpu.memory_space<vmem>>)
    %scan3A_332 = arith.constant 0 : i32
    %scan3A_333 = arith.constant 0 : i32
    %scan3A_334 = arith.constant 128 : i32
    %scan3A_335 = arith.addi %scan3A_333, %scan3A_334 : i32
    %scan3A_336 = arith.constant 1 : i32
    scf.for %scan3A_704 = %scan3A_333 to %scan3A_335 step %scan3A_336  : i32 {
      %add3A_705 = arith.constant 0 : i32
      %add3A_706 = arith.addi %add3A_705, %scan3A_704 : i32
      %get3A = arith.index_cast %add3A_706 : i32 to index
      %get3A_707 = arith.constant 0 : index
      %get3A_708 = tpu.vector_load %arg8[%get3A, %get3A_707] {strides = array<i32>} : memref<256x128xf32, #tpu.memory_space<vmem>>, vector<1x16xf32>,
      %get3A_709 = vector.shape_cast %get3A_708 : vector<1x16xf32> to vector<16xf32>
      %swap3A = arith.constant 2 : i32
      %swap3A_710 = arith.index_cast %swap3A : i32 to index
      %swap3A_711 = arith.index_cast %scan3A_704 : i32 to index
      %swap3A_712 = arith.constant 0 : index
      %swap3A_713 = tpu.vector_load %arg7[%swap3A_710, %swap3A_711, %swap3A_712] {strides = array<i32>} : memref<4x128x128xf32, #tpu.memory_space<vmem>>, vector<1x1x16xf32>,
      %swap3A_714 = vector.shape_cast %swap3A_713 : vector<1x1x16xf32> to vector<16xf32>
      %swap3A_715 = vector.shape_cast %get3A_709 : vector<16xf32> to vector<1x1x16xf32>
      tpu.vector_store %arg7[%swap3A_710, %swap3A_711, %swap3A_712], %swap3A_715 {add = true, strides = array<i32>} : memref<4x128x128xf32, #tpu.memory_space<vmem>>, vector<1x1x16xf32>,
      %add3A_716 = arith.constant 0 : i32
      %add3A_717 = arith.addi %add3A_716, %scan3A_704 : i32
      %get3A_718 = arith.index_cast %add3A_717 : i32 to index
      %get3A_719 = arith.constant 16 : index
      %get3A_720 = tpu.vector_load %arg8[%get3A_718, %get3A_719] {strides = array<i32>} : memref<256x128xf32, #tpu.memory_space<vmem>>, vector<1x16xf32>,
      %get3A_721 = vector.shape_cast %get3A_720 : vector<1x16xf32> to vector<16xf32>
      %swap3A_722 = arith.constant 2 : i32
      %swap3A_723 = arith.index_cast %swap3A_722 : i32 to index
      %swap3A_724 = arith.index_cast %scan3A_704 : i32 to index
      %swap3A_725 = arith.constant 16 : index
      %swap3A_726 = tpu.vector_load %arg7[%swap3A_723, %swap3A_724, %swap3A_725] {strides = array<i32>} : memref<4x128x128xf32, #tpu.memory_space<vmem>>, vector<1x1x16xf32>,
      %swap3A_727 = vector.shape_cast %swap3A_726 : vector<1x1x16xf32> to vector<16xf32>
      %swap3A_728 = vector.shape_cast %get3A_721 : vector<16xf32> to vector<1x1x16xf32>
      tpu.vector_store %arg7[%swap3A_723, %swap3A_724, %swap3A_725], %swap3A_728 {add = true, strides = array<i32>} : memref<4x128x128xf32, #tpu.memory_space<vmem>>, vector<1x1x16xf32>,
      %add3A_729 = arith.constant 0 : i32
      %add3A_730 = arith.addi %add3A_729, %scan3A_704 : i32
      %get3A_731 = arith.index_cast %add3A_730 : i32 to index
      %get3A_732 = arith.constant 32 : index
      %get3A_733 = tpu.vector_load %arg8[%get3A_731, %get3A_732] {strides = array<i32>} : memref<256x128xf32, #tpu.memory_space<vmem>>, vector<1x16xf32>,
      %get3A_734 = vector.shape_cast %get3A_733 : vector<1x16xf32> to vector<16xf32>
      %swap3A_735 = arith.constant 2 : i32
      %swap3A_736 = arith.index_cast %swap3A_735 : i32 to index
      %swap3A_737 = arith.index_cast %scan3A_704 : i32 to index
      %swap3A_738 = arith.constant 32 : index
      %swap3A_739 = tpu.vector_load %arg7[%swap3A_736, %swap3A_737, %swap3A_738] {strides = array<i32>} : memref<4x128x128xf32, #tpu.memory_space<vmem>>, vector<1x1x16xf32>,
      %swap3A_740 = vector.shape_cast %swap3A_739 : vector<1x1x16xf32> to vector<16xf32>
      %swap3A_741 = vector.shape_cast %get3A_734 : vector<16xf32> to vector<1x1x16xf32>
      tpu.vector_store %arg7[%swap3A_736, %swap3A_737, %swap3A_738], %swap3A_741 {add = true, strides = array<i32>} : memref<4x128x128xf32, #tpu.memory_space<vmem>>, vector<1x1x16xf32>,
      %add3A_742 = arith.constant 0 : i32
      %add3A_743 = arith.addi %add3A_742, %scan3A_704 : i32
      %get3A_744 = arith.index_cast %add3A_743 : i32 to index
      %get3A_745 = arith.constant 48 : index
      %get3A_746 = tpu.vector_load %arg8[%get3A_744, %get3A_745] {strides = array<i32>} : memref<256x128xf32, #tpu.memory_space<vmem>>, vector<1x16xf32>,
      %get3A_747 = vector.shape_cast %get3A_746 : vector<1x16xf32> to vector<16xf32>
      %swap3A_748 = arith.constant 2 : i32
      %swap3A_749 = arith.index_cast %swap3A_748 : i32 to index
      %swap3A_750 = arith.index_cast %scan3A_704 : i32 to index
      %swap3A_751 = arith.constant 48 : index
      %swap3A_752 = tpu.vector_load %arg7[%swap3A_749, %swap3A_750, %swap3A_751] {strides = array<i32>} : memref<4x128x128xf32, #tpu.memory_space<vmem>>, vector<1x1x16xf32>,
      %swap3A_753 = vector.shape_cast %swap3A_752 : vector<1x1x16xf32> to vector<16xf32>
      %swap3A_754 = vector.shape_cast %get3A_747 : vector<16xf32> to vector<1x1x16xf32>
      tpu.vector_store %arg7[%swap3A_749, %swap3A_750, %swap3A_751], %swap3A_754 {add = true, strides = array<i32>} : memref<4x128x128xf32, #tpu.memory_space<vmem>>, vector<1x1x16xf32>,
      %add3A_755 = arith.constant 0 : i32
      %add3A_756 = arith.addi %add3A_755, %scan3A_704 : i32
      %get3A_757 = arith.index_cast %add3A_756 : i32 to index
      %get3A_758 = arith.constant 64 : index
      %get3A_759 = tpu.vector_load %arg8[%get3A_757, %get3A_758] {strides = array<i32>} : memref<256x128xf32, #tpu.memory_space<vmem>>, vector<1x16xf32>,
      %get3A_760 = vector.shape_cast %get3A_759 : vector<1x16xf32> to vector<16xf32>
      %swap3A_761 = arith.constant 2 : i32
      %swap3A_762 = arith.index_cast %swap3A_761 : i32 to index
      %swap3A_763 = arith.index_cast %scan3A_704 : i32 to index
      %swap3A_764 = arith.constant 64 : index
      %swap3A_765 = tpu.vector_load %arg7[%swap3A_762, %swap3A_763, %swap3A_764] {strides = array<i32>} : memref<4x128x128xf32, #tpu.memory_space<vmem>>, vector<1x1x16xf32>,
      %swap3A_766 = vector.shape_cast %swap3A_765 : vector<1x1x16xf32> to vector<16xf32>
      %swap3A_767 = vector.shape_cast %get3A_760 : vector<16xf32> to vector<1x1x16xf32>
      tpu.vector_store %arg7[%swap3A_762, %swap3A_763, %swap3A_764], %swap3A_767 {add = true, strides = array<i32>} : memref<4x128x128xf32, #tpu.memory_space<vmem>>, vector<1x1x16xf32>,
      %add3A_768 = arith.constant 0 : i32
      %add3A_769 = arith.addi %add3A_768, %scan3A_704 : i32
      %get3A_770 = arith.index_cast %add3A_769 : i32 to index
      %get3A_771 = arith.constant 80 : index
      %get3A_772 = tpu.vector_load %arg8[%get3A_770, %get3A_771] {strides = array<i32>} : memref<256x128xf32, #tpu.memory_space<vmem>>, vector<1x16xf32>,
      %get3A_773 = vector.shape_cast %get3A_772 : vector<1x16xf32> to vector<16xf32>
      %swap3A_774 = arith.constant 2 : i32
      %swap3A_775 = arith.index_cast %swap3A_774 : i32 to index
      %swap3A_776 = arith.index_cast %scan3A_704 : i32 to index
      %swap3A_777 = arith.constant 80 : index
      %swap3A_778 = tpu.vector_load %arg7[%swap3A_775, %swap3A_776, %swap3A_777] {strides = array<i32>} : memref<4x128x128xf32, #tpu.memory_space<vmem>>, vector<1x1x16xf32>,
      %swap3A_779 = vector.shape_cast %swap3A_778 : vector<1x1x16xf32> to vector<16xf32>
      %swap3A_780 = vector.shape_cast %get3A_773 : vector<16xf32> to vector<1x1x16xf32>
      tpu.vector_store %arg7[%swap3A_775, %swap3A_776, %swap3A_777], %swap3A_780 {add = true, strides = array<i32>} : memref<4x128x128xf32, #tpu.memory_space<vmem>>, vector<1x1x16xf32>,
      %add3A_781 = arith.constant 0 : i32
      %add3A_782 = arith.addi %add3A_781, %scan3A_704 : i32
      %get3A_783 = arith.index_cast %add3A_782 : i32 to index
      %get3A_784 = arith.constant 96 : index
      %get3A_785 = tpu.vector_load %arg8[%get3A_783, %get3A_784] {strides = array<i32>} : memref<256x128xf32, #tpu.memory_space<vmem>>, vector<1x16xf32>,
      %get3A_786 = vector.shape_cast %get3A_785 : vector<1x16xf32> to vector<16xf32>
      %swap3A_787 = arith.constant 2 : i32
      %swap3A_788 = arith.index_cast %swap3A_787 : i32 to index
      %swap3A_789 = arith.index_cast %scan3A_704 : i32 to index
      %swap3A_790 = arith.constant 96 : index
      %swap3A_791 = tpu.vector_load %arg7[%swap3A_788, %swap3A_789, %swap3A_790] {strides = array<i32>} : memref<4x128x128xf32, #tpu.memory_space<vmem>>, vector<1x1x16xf32>,
      %swap3A_792 = vector.shape_cast %swap3A_791 : vector<1x1x16xf32> to vector<16xf32>
      %swap3A_793 = vector.shape_cast %get3A_786 : vector<16xf32> to vector<1x1x16xf32>
      tpu.vector_store %arg7[%swap3A_788, %swap3A_789, %swap3A_790], %swap3A_793 {add = true, strides = array<i32>} : memref<4x128x128xf32, #tpu.memory_space<vmem>>, vector<1x1x16xf32>,
      %add3A_794 = arith.constant 0 : i32
      %add3A_795 = arith.addi %add3A_794, %scan3A_704 : i32
      %get3A_796 = arith.index_cast %add3A_795 : i32 to index
      %get3A_797 = arith.constant 112 : index
      %get3A_798 = tpu.vector_load %arg8[%get3A_796, %get3A_797] {strides = array<i32>} : memref<256x128xf32, #tpu.memory_space<vmem>>, vector<1x16xf32>,
      %get3A_799 = vector.shape_cast %get3A_798 : vector<1x16xf32> to vector<16xf32>
      %swap3A_800 = arith.constant 2 : i32
      %swap3A_801 = arith.index_cast %swap3A_800 : i32 to index
      %swap3A_802 = arith.index_cast %scan3A_704 : i32 to index
      %swap3A_803 = arith.constant 112 : index
      %swap3A_804 = tpu.vector_load %arg7[%swap3A_801, %swap3A_802, %swap3A_803] {strides = array<i32>} : memref<4x128x128xf32, #tpu.memory_space<vmem>>, vector<1x1x16xf32>,
      %swap3A_805 = vector.shape_cast %swap3A_804 : vector<1x1x16xf32> to vector<16xf32>
      %swap3A_806 = vector.shape_cast %get3A_799 : vector<16xf32> to vector<1x1x16xf32>
      tpu.vector_store %arg7[%swap3A_801, %swap3A_802, %swap3A_803], %swap3A_806 {add = true, strides = array<i32>} : memref<4x128x128xf32, #tpu.memory_space<vmem>>, vector<1x1x16xf32>,
    }
    %scan3A_337 = arith.constant 128 : i32
    %add3A_338 = arith.constant 8192 : i32
    %add3A_339 = arith.addi %add3A_338, %mul3A_2 : i32
    %add3A_340 = arith.constant 0 : i32
    %add3A_341 = arith.addi %add3A_339, %add3A_340 : i32
    %dma_start3A_342 = arith.constant 2 : i32
    %dma_start3A_343 = arith.constant 2 : i32
    %dma_start3A_344 = arith.constant 0 : i32
    %dma_start3A_345 = arith.constant 0 : i32
    %dma_start3A_346 = tpu.memref_slice %arg7[%dma_start3A_342, %dma_start3A_344, %dma_start3A_345] : memref<4x128x128xf32, #tpu.memory_space<vmem>> -> memref<1x128x128xf32, #tpu.memory_space<vmem>>
    %dma_start3A_347 = tpu.memref_squeeze %dma_start3A_346 : memref<1x128x128xf32, #tpu.memory_space<vmem>> -> memref<128x128xf32, #tpu.memory_space<vmem>>
    %dma_start3A_348 = arith.constant 0 : i32
    %dma_start3A_349 = tpu.memref_slice %arg5[%add3A_341, %dma_start3A_348] : memref<32768x128xf32, #tpu.memory_space<hbm>> -> memref<128x128xf32, #tpu.memory_space<hbm>>
    %dma_start3A_350 = tpu.memref_slice %arg10[%dma_start3A_343] : memref<4x!tpu.dma_semaphore, #tpu.memory_space<semaphore_mem>> -> memref<1x!tpu.dma_semaphore, #tpu.memory_space<semaphore_mem>>
    %dma_start3A_351 = tpu.memref_squeeze %dma_start3A_350 : memref<1x!tpu.dma_semaphore, #tpu.memory_space<semaphore_mem>> -> memref<!tpu.dma_semaphore, #tpu.memory_space<semaphore_mem>>
    %dma_start3A_352 = arith.constant 0 : i32
    %dma_start3A_353 = tpu.memref_slice %arg5[%add3A_341, %dma_start3A_352] : memref<32768x128xf32, #tpu.memory_space<hbm>> -> memref<128x128xf32, #tpu.memory_space<hbm>>
    %dma_start3A_354 = arith.constant 0 : i32
    %dma_start3A_355 = arith.constant 0 : i32
    %dma_start3A_356 = tpu.memref_slice %arg7[%dma_start3A_342, %dma_start3A_354, %dma_start3A_355] : memref<4x128x128xf32, #tpu.memory_space<vmem>> -> memref<1x128x128xf32, #tpu.memory_space<vmem>>
    %dma_start3A_357 = tpu.memref_squeeze %dma_start3A_356 : memref<1x128x128xf32, #tpu.memory_space<vmem>> -> memref<128x128xf32, #tpu.memory_space<vmem>>
    tpu.enqueue_dma source(%dma_start3A_357 : memref<128x128xf32, #tpu.memory_space<vmem>>) target(%dma_start3A_353 : memref<128x128xf32, #tpu.memory_space<hbm>>) target_semaphore(%dma_start3A_351 : memref<!tpu.dma_semaphore, #tpu.memory_space<semaphore_mem>>)
    %dma_wait3A_358 = arith.constant 2 : i32
    %dma_wait3A_359 = arith.constant 2 : i32
    %dma_wait3A_360 = arith.constant 0 : i32
    %dma_wait3A_361 = arith.constant 0 : i32
    %dma_wait3A_362 = tpu.memref_slice %arg7[%dma_wait3A_358, %dma_wait3A_360, %dma_wait3A_361] : memref<4x128x128xf32, #tpu.memory_space<vmem>> -> memref<1x128x128xf32, #tpu.memory_space<vmem>>
    %dma_wait3A_363 = tpu.memref_squeeze %dma_wait3A_362 : memref<1x128x128xf32, #tpu.memory_space<vmem>> -> memref<128x128xf32, #tpu.memory_space<vmem>>
    %dma_wait3A_364 = arith.constant 0 : i32
    %dma_wait3A_365 = tpu.memref_slice %arg5[%add3A_341, %dma_wait3A_364] : memref<32768x128xf32, #tpu.memory_space<hbm>> -> memref<128x128xf32, #tpu.memory_space<hbm>>
    %dma_wait3A_366 = tpu.memref_slice %arg10[%dma_wait3A_359] : memref<4x!tpu.dma_semaphore, #tpu.memory_space<semaphore_mem>> -> memref<1x!tpu.dma_semaphore, #tpu.memory_space<semaphore_mem>>
    %dma_wait3A_367 = tpu.memref_squeeze %dma_wait3A_366 : memref<1x!tpu.dma_semaphore, #tpu.memory_space<semaphore_mem>> -> memref<!tpu.dma_semaphore, #tpu.memory_space<semaphore_mem>>
    %dma_wait3A_368 = arith.constant 0 : i32
    %dma_wait3A_369 = tpu.memref_slice %arg5[%add3A_341, %dma_wait3A_368] : memref<32768x128xf32, #tpu.memory_space<hbm>> -> memref<128x128xf32, #tpu.memory_space<hbm>>
    %dma_wait3A_370 = arith.constant 0 : i32
    %dma_wait3A_371 = arith.constant 0 : i32
    %dma_wait3A_372 = tpu.memref_slice %arg7[%dma_wait3A_358, %dma_wait3A_370, %dma_wait3A_371] : memref<4x128x128xf32, #tpu.memory_space<vmem>> -> memref<1x128x128xf32, #tpu.memory_space<vmem>>
    %dma_wait3A_373 = tpu.memref_squeeze %dma_wait3A_372 : memref<1x128x128xf32, #tpu.memory_space<vmem>> -> memref<128x128xf32, #tpu.memory_space<vmem>>
    tpu.wait_dma2 semaphore(%dma_wait3A_367 : memref<!tpu.dma_semaphore, #tpu.memory_space<semaphore_mem>>) src(%dma_wait3A_373 : memref<128x128xf32, #tpu.memory_space<vmem>>) dst(%dma_wait3A_369 : memref<128x128xf32, #tpu.memory_space<hbm>>)
    %dma_wait3A_374 = arith.constant 3 : i32
    %dma_wait3A_375 = arith.constant 3 : i32
    %dma_wait3A_376 = arith.constant 3 : i32
    %dma_wait3A_377 = arith.constant 0 : i32
    %dma_wait3A_378 = tpu.memref_slice %arg6[%dma_wait3A_375, %dma_wait3A_377] : memref<4x256xi32, #tpu.memory_space<vmem>> -> memref<1x256xi32, #tpu.memory_space<vmem>>
    %dma_wait3A_379 = tpu.memref_squeeze %dma_wait3A_378 : memref<1x256xi32, #tpu.memory_space<vmem>> -> memref<256xi32, #tpu.memory_space<vmem>>
    %dma_wait3A_380 = tpu.memref_slice %arg2[%dma_wait3A_374, %mul3A_2] : memref<4x8192xi32, #tpu.memory_space<hbm>> -> memref<1x256xi32, #tpu.memory_space<hbm>>
    %dma_wait3A_381 = tpu.memref_squeeze %dma_wait3A_380 : memref<1x256xi32, #tpu.memory_space<hbm>> -> memref<256xi32, #tpu.memory_space<hbm>>
    %dma_wait3A_382 = tpu.memref_slice %arg11[%dma_wait3A_376] : memref<4x!tpu.dma_semaphore, #tpu.memory_space<semaphore_mem>> -> memref<1x!tpu.dma_semaphore, #tpu.memory_space<semaphore_mem>>
    %dma_wait3A_383 = tpu.memref_squeeze %dma_wait3A_382 : memref<1x!tpu.dma_semaphore, #tpu.memory_space<semaphore_mem>> -> memref<!tpu.dma_semaphore, #tpu.memory_space<semaphore_mem>>
    %dma_wait3A_384 = arith.constant 0 : i32
    %dma_wait3A_385 = tpu.memref_slice %arg6[%dma_wait3A_375, %dma_wait3A_384] : memref<4x256xi32, #tpu.memory_space<vmem>> -> memref<1x256xi32, #tpu.memory_space<vmem>>
    %dma_wait3A_386 = tpu.memref_squeeze %dma_wait3A_385 : memref<1x256xi32, #tpu.memory_space<vmem>> -> memref<256xi32, #tpu.memory_space<vmem>>
    %dma_wait3A_387 = tpu.memref_slice %arg2[%dma_wait3A_374, %mul3A_2] : memref<4x8192xi32, #tpu.memory_space<hbm>> -> memref<1x256xi32, #tpu.memory_space<hbm>>
    %dma_wait3A_388 = tpu.memref_squeeze %dma_wait3A_387 : memref<1x256xi32, #tpu.memory_space<hbm>> -> memref<256xi32, #tpu.memory_space<hbm>>
    tpu.wait_dma2 semaphore(%dma_wait3A_383 : memref<!tpu.dma_semaphore, #tpu.memory_space<semaphore_mem>>) src(%dma_wait3A_388 : memref<256xi32, #tpu.memory_space<hbm>>) dst(%dma_wait3A_386 : memref<256xi32, #tpu.memory_space<vmem>>)
    %dma_start3A_389 = arith.constant 3 : i32
    %dma_start3A_390 = arith.constant 2 : i32
    %dma_start3A_391 = arith.constant 2 : i32
    %dma_start3A_392 = arith.constant 0 : i32
    %dma_start3A_393 = arith.constant 0 : i32
    %dma_start3A_394 = tpu.memref_slice %arg7[%dma_start3A_390, %dma_start3A_392, %dma_start3A_393] : memref<4x128x128xf32, #tpu.memory_space<vmem>> -> memref<1x128x128xf32, #tpu.memory_space<vmem>>
    %dma_start3A_395 = tpu.memref_squeeze %dma_start3A_394 : memref<1x128x128xf32, #tpu.memory_space<vmem>> -> memref<128x128xf32, #tpu.memory_space<vmem>>
    %dma_start3A_396 = arith.constant 0 : i32
    %dma_start3A_397 = tpu.memref_slice %arg6[%dma_start3A_389, %dma_start3A_396] : memref<4x256xi32, #tpu.memory_space<vmem>> -> memref<1x128xi32, #tpu.memory_space<vmem>>
    %dma_start3A_398 = tpu.memref_squeeze %dma_start3A_397 : memref<1x128xi32, #tpu.memory_space<vmem>> -> memref<128xi32, #tpu.memory_space<vmem>>
    %dma_start3A_399 = arith.constant 0 : i32
    %dma_start3A_400 = arith.constant 0 : i32
    %dma_start3A_401 = tpu.memref_slice %arg3[%dma_start3A_399, %dma_start3A_400] : memref<100000x128xf32, #tpu.memory_space<hbm>> -> memref<100000x128xf32, #tpu.memory_space<hbm>>
    %dma_start3A_402 = tpu.memref_slice %arg9[%dma_start3A_391] : memref<4x!tpu.dma_semaphore, #tpu.memory_space<semaphore_mem>> -> memref<1x!tpu.dma_semaphore, #tpu.memory_space<semaphore_mem>>
    %dma_start3A_403 = tpu.memref_squeeze %dma_start3A_402 : memref<1x!tpu.dma_semaphore, #tpu.memory_space<semaphore_mem>> -> memref<!tpu.dma_semaphore, #tpu.memory_space<semaphore_mem>>
    tpu.enqueue_indirect_dma source(%dma_start3A_401 : memref<100000x128xf32, #tpu.memory_space<hbm>>) target(%dma_start3A_395 : memref<128x128xf32, #tpu.memory_space<vmem>>) offsets(%dma_start3A_398 : memref<128xi32, #tpu.memory_space<vmem>>) semaphore(%dma_start3A_403 : memref<!tpu.dma_semaphore, #tpu.memory_space<semaphore_mem>>)
    %dma_wait3A_404 = arith.constant 1 : i32
    %dma_wait3A_405 = arith.constant 3 : i32
    %dma_wait3A_406 = arith.constant 3 : i32
    %dma_wait3A_407 = arith.constant 0 : i32
    %dma_wait3A_408 = arith.constant 0 : i32
    %dma_wait3A_409 = tpu.memref_slice %arg7[%dma_wait3A_405, %dma_wait3A_407, %dma_wait3A_408] : memref<4x128x128xf32, #tpu.memory_space<vmem>> -> memref<1x128x128xf32, #tpu.memory_space<vmem>>
    %dma_wait3A_410 = tpu.memref_squeeze %dma_wait3A_409 : memref<1x128x128xf32, #tpu.memory_space<vmem>> -> memref<128x128xf32, #tpu.memory_space<vmem>>
    %dma_wait3A_411 = arith.constant 128 : i32
    %dma_wait3A_412 = tpu.memref_slice %arg6[%dma_wait3A_404, %dma_wait3A_411] : memref<4x256xi32, #tpu.memory_space<vmem>> -> memref<1x128xi32, #tpu.memory_space<vmem>>
    %dma_wait3A_413 = tpu.memref_squeeze %dma_wait3A_412 : memref<1x128xi32, #tpu.memory_space<vmem>> -> memref<128xi32, #tpu.memory_space<vmem>>
    %dma_wait3A_414 = arith.constant 0 : i32
    %dma_wait3A_415 = arith.constant 0 : i32
    %dma_wait3A_416 = tpu.memref_slice %arg3[%dma_wait3A_414, %dma_wait3A_415] : memref<100000x128xf32, #tpu.memory_space<hbm>> -> memref<100000x128xf32, #tpu.memory_space<hbm>>
    %dma_wait3A_417 = tpu.memref_slice %arg9[%dma_wait3A_406] : memref<4x!tpu.dma_semaphore, #tpu.memory_space<semaphore_mem>> -> memref<1x!tpu.dma_semaphore, #tpu.memory_space<semaphore_mem>>
    %dma_wait3A_418 = tpu.memref_squeeze %dma_wait3A_417 : memref<1x!tpu.dma_semaphore, #tpu.memory_space<semaphore_mem>> -> memref<!tpu.dma_semaphore, #tpu.memory_space<semaphore_mem>>
    tpu.wait_indirect_dma semaphore(%dma_wait3A_418 : memref<!tpu.dma_semaphore, #tpu.memory_space<semaphore_mem>>) src(%dma_wait3A_416 : memref<100000x128xf32, #tpu.memory_space<hbm>>) dst(%dma_wait3A_410 : memref<128x128xf32, #tpu.memory_space<vmem>>)
    %scan3A_419 = arith.constant 0 : i32
    %scan3A_420 = arith.constant 0 : i32
    %scan3A_421 = arith.constant 128 : i32
    %scan3A_422 = arith.addi %scan3A_420, %scan3A_421 : i32
    %scan3A_423 = arith.constant 1 : i32
    scf.for %scan3A_704 = %scan3A_420 to %scan3A_422 step %scan3A_423  : i32 {
      %add3A_705 = arith.constant 128 : i32
      %add3A_706 = arith.addi %add3A_705, %scan3A_704 : i32
      %get3A = arith.index_cast %add3A_706 : i32 to index
      %get3A_707 = arith.constant 0 : index
      %get3A_708 = tpu.vector_load %arg8[%get3A, %get3A_707] {strides = array<i32>} : memref<256x128xf32, #tpu.memory_space<vmem>>, vector<1x16xf32>,
      %get3A_709 = vector.shape_cast %get3A_708 : vector<1x16xf32> to vector<16xf32>
      %swap3A = arith.constant 3 : i32
      %swap3A_710 = arith.index_cast %swap3A : i32 to index
      %swap3A_711 = arith.index_cast %scan3A_704 : i32 to index
      %swap3A_712 = arith.constant 0 : index
      %swap3A_713 = tpu.vector_load %arg7[%swap3A_710, %swap3A_711, %swap3A_712] {strides = array<i32>} : memref<4x128x128xf32, #tpu.memory_space<vmem>>, vector<1x1x16xf32>,
      %swap3A_714 = vector.shape_cast %swap3A_713 : vector<1x1x16xf32> to vector<16xf32>
      %swap3A_715 = vector.shape_cast %get3A_709 : vector<16xf32> to vector<1x1x16xf32>
      tpu.vector_store %arg7[%swap3A_710, %swap3A_711, %swap3A_712], %swap3A_715 {add = true, strides = array<i32>} : memref<4x128x128xf32, #tpu.memory_space<vmem>>, vector<1x1x16xf32>,
      %add3A_716 = arith.constant 128 : i32
      %add3A_717 = arith.addi %add3A_716, %scan3A_704 : i32
      %get3A_718 = arith.index_cast %add3A_717 : i32 to index
      %get3A_719 = arith.constant 16 : index
      %get3A_720 = tpu.vector_load %arg8[%get3A_718, %get3A_719] {strides = array<i32>} : memref<256x128xf32, #tpu.memory_space<vmem>>, vector<1x16xf32>,
      %get3A_721 = vector.shape_cast %get3A_720 : vector<1x16xf32> to vector<16xf32>
      %swap3A_722 = arith.constant 3 : i32
      %swap3A_723 = arith.index_cast %swap3A_722 : i32 to index
      %swap3A_724 = arith.index_cast %scan3A_704 : i32 to index
      %swap3A_725 = arith.constant 16 : index
      %swap3A_726 = tpu.vector_load %arg7[%swap3A_723, %swap3A_724, %swap3A_725] {strides = array<i32>} : memref<4x128x128xf32, #tpu.memory_space<vmem>>, vector<1x1x16xf32>,
      %swap3A_727 = vector.shape_cast %swap3A_726 : vector<1x1x16xf32> to vector<16xf32>
      %swap3A_728 = vector.shape_cast %get3A_721 : vector<16xf32> to vector<1x1x16xf32>
      tpu.vector_store %arg7[%swap3A_723, %swap3A_724, %swap3A_725], %swap3A_728 {add = true, strides = array<i32>} : memref<4x128x128xf32, #tpu.memory_space<vmem>>, vector<1x1x16xf32>,
      %add3A_729 = arith.constant 128 : i32
      %add3A_730 = arith.addi %add3A_729, %scan3A_704 : i32
      %get3A_731 = arith.index_cast %add3A_730 : i32 to index
      %get3A_732 = arith.constant 32 : index
      %get3A_733 = tpu.vector_load %arg8[%get3A_731, %get3A_732] {strides = array<i32>} : memref<256x128xf32, #tpu.memory_space<vmem>>, vector<1x16xf32>,
      %get3A_734 = vector.shape_cast %get3A_733 : vector<1x16xf32> to vector<16xf32>
      %swap3A_735 = arith.constant 3 : i32
      %swap3A_736 = arith.index_cast %swap3A_735 : i32 to index
      %swap3A_737 = arith.index_cast %scan3A_704 : i32 to index
      %swap3A_738 = arith.constant 32 : index
      %swap3A_739 = tpu.vector_load %arg7[%swap3A_736, %swap3A_737, %swap3A_738] {strides = array<i32>} : memref<4x128x128xf32, #tpu.memory_space<vmem>>, vector<1x1x16xf32>,
      %swap3A_740 = vector.shape_cast %swap3A_739 : vector<1x1x16xf32> to vector<16xf32>
      %swap3A_741 = vector.shape_cast %get3A_734 : vector<16xf32> to vector<1x1x16xf32>
      tpu.vector_store %arg7[%swap3A_736, %swap3A_737, %swap3A_738], %swap3A_741 {add = true, strides = array<i32>} : memref<4x128x128xf32, #tpu.memory_space<vmem>>, vector<1x1x16xf32>,
      %add3A_742 = arith.constant 128 : i32
      %add3A_743 = arith.addi %add3A_742, %scan3A_704 : i32
      %get3A_744 = arith.index_cast %add3A_743 : i32 to index
      %get3A_745 = arith.constant 48 : index
      %get3A_746 = tpu.vector_load %arg8[%get3A_744, %get3A_745] {strides = array<i32>} : memref<256x128xf32, #tpu.memory_space<vmem>>, vector<1x16xf32>,
      %get3A_747 = vector.shape_cast %get3A_746 : vector<1x16xf32> to vector<16xf32>
      %swap3A_748 = arith.constant 3 : i32
      %swap3A_749 = arith.index_cast %swap3A_748 : i32 to index
      %swap3A_750 = arith.index_cast %scan3A_704 : i32 to index
      %swap3A_751 = arith.constant 48 : index
      %swap3A_752 = tpu.vector_load %arg7[%swap3A_749, %swap3A_750, %swap3A_751] {strides = array<i32>} : memref<4x128x128xf32, #tpu.memory_space<vmem>>, vector<1x1x16xf32>,
      %swap3A_753 = vector.shape_cast %swap3A_752 : vector<1x1x16xf32> to vector<16xf32>
      %swap3A_754 = vector.shape_cast %get3A_747 : vector<16xf32> to vector<1x1x16xf32>
      tpu.vector_store %arg7[%swap3A_749, %swap3A_750, %swap3A_751], %swap3A_754 {add = true, strides = array<i32>} : memref<4x128x128xf32, #tpu.memory_space<vmem>>, vector<1x1x16xf32>,
      %add3A_755 = arith.constant 128 : i32
      %add3A_756 = arith.addi %add3A_755, %scan3A_704 : i32
      %get3A_757 = arith.index_cast %add3A_756 : i32 to index
      %get3A_758 = arith.constant 64 : index
      %get3A_759 = tpu.vector_load %arg8[%get3A_757, %get3A_758] {strides = array<i32>} : memref<256x128xf32, #tpu.memory_space<vmem>>, vector<1x16xf32>,
      %get3A_760 = vector.shape_cast %get3A_759 : vector<1x16xf32> to vector<16xf32>
      %swap3A_761 = arith.constant 3 : i32
      %swap3A_762 = arith.index_cast %swap3A_761 : i32 to index
      %swap3A_763 = arith.index_cast %scan3A_704 : i32 to index
      %swap3A_764 = arith.constant 64 : index
      %swap3A_765 = tpu.vector_load %arg7[%swap3A_762, %swap3A_763, %swap3A_764] {strides = array<i32>} : memref<4x128x128xf32, #tpu.memory_space<vmem>>, vector<1x1x16xf32>,
      %swap3A_766 = vector.shape_cast %swap3A_765 : vector<1x1x16xf32> to vector<16xf32>
      %swap3A_767 = vector.shape_cast %get3A_760 : vector<16xf32> to vector<1x1x16xf32>
      tpu.vector_store %arg7[%swap3A_762, %swap3A_763, %swap3A_764], %swap3A_767 {add = true, strides = array<i32>} : memref<4x128x128xf32, #tpu.memory_space<vmem>>, vector<1x1x16xf32>,
      %add3A_768 = arith.constant 128 : i32
      %add3A_769 = arith.addi %add3A_768, %scan3A_704 : i32
      %get3A_770 = arith.index_cast %add3A_769 : i32 to index
      %get3A_771 = arith.constant 80 : index
      %get3A_772 = tpu.vector_load %arg8[%get3A_770, %get3A_771] {strides = array<i32>} : memref<256x128xf32, #tpu.memory_space<vmem>>, vector<1x16xf32>,
      %get3A_773 = vector.shape_cast %get3A_772 : vector<1x16xf32> to vector<16xf32>
      %swap3A_774 = arith.constant 3 : i32
      %swap3A_775 = arith.index_cast %swap3A_774 : i32 to index
      %swap3A_776 = arith.index_cast %scan3A_704 : i32 to index
      %swap3A_777 = arith.constant 80 : index
      %swap3A_778 = tpu.vector_load %arg7[%swap3A_775, %swap3A_776, %swap3A_777] {strides = array<i32>} : memref<4x128x128xf32, #tpu.memory_space<vmem>>, vector<1x1x16xf32>,
      %swap3A_779 = vector.shape_cast %swap3A_778 : vector<1x1x16xf32> to vector<16xf32>
      %swap3A_780 = vector.shape_cast %get3A_773 : vector<16xf32> to vector<1x1x16xf32>
      tpu.vector_store %arg7[%swap3A_775, %swap3A_776, %swap3A_777], %swap3A_780 {add = true, strides = array<i32>} : memref<4x128x128xf32, #tpu.memory_space<vmem>>, vector<1x1x16xf32>,
      %add3A_781 = arith.constant 128 : i32
      %add3A_782 = arith.addi %add3A_781, %scan3A_704 : i32
      %get3A_783 = arith.index_cast %add3A_782 : i32 to index
      %get3A_784 = arith.constant 96 : index
      %get3A_785 = tpu.vector_load %arg8[%get3A_783, %get3A_784] {strides = array<i32>} : memref<256x128xf32, #tpu.memory_space<vmem>>, vector<1x16xf32>,
      %get3A_786 = vector.shape_cast %get3A_785 : vector<1x16xf32> to vector<16xf32>
      %swap3A_787 = arith.constant 3 : i32
      %swap3A_788 = arith.index_cast %swap3A_787 : i32 to index
      %swap3A_789 = arith.index_cast %scan3A_704 : i32 to index
      %swap3A_790 = arith.constant 96 : index
      %swap3A_791 = tpu.vector_load %arg7[%swap3A_788, %swap3A_789, %swap3A_790] {strides = array<i32>} : memref<4x128x128xf32, #tpu.memory_space<vmem>>, vector<1x1x16xf32>,
      %swap3A_792 = vector.shape_cast %swap3A_791 : vector<1x1x16xf32> to vector<16xf32>
      %swap3A_793 = vector.shape_cast %get3A_786 : vector<16xf32> to vector<1x1x16xf32>
      tpu.vector_store %arg7[%swap3A_788, %swap3A_789, %swap3A_790], %swap3A_793 {add = true, strides = array<i32>} : memref<4x128x128xf32, #tpu.memory_space<vmem>>, vector<1x1x16xf32>,
      %add3A_794 = arith.constant 128 : i32
      %add3A_795 = arith.addi %add3A_794, %scan3A_704 : i32
      %get3A_796 = arith.index_cast %add3A_795 : i32 to index
      %get3A_797 = arith.constant 112 : index
      %get3A_798 = tpu.vector_load %arg8[%get3A_796, %get3A_797] {strides = array<i32>} : memref<256x128xf32, #tpu.memory_space<vmem>>, vector<1x16xf32>,
      %get3A_799 = vector.shape_cast %get3A_798 : vector<1x16xf32> to vector<16xf32>
      %swap3A_800 = arith.constant 3 : i32
      %swap3A_801 = arith.index_cast %swap3A_800 : i32 to index
      %swap3A_802 = arith.index_cast %scan3A_704 : i32 to index
      %swap3A_803 = arith.constant 112 : index
      %swap3A_804 = tpu.vector_load %arg7[%swap3A_801, %swap3A_802, %swap3A_803] {strides = array<i32>} : memref<4x128x128xf32, #tpu.memory_space<vmem>>, vector<1x1x16xf32>,
      %swap3A_805 = vector.shape_cast %swap3A_804 : vector<1x1x16xf32> to vector<16xf32>
      %swap3A_806 = vector.shape_cast %get3A_799 : vector<16xf32> to vector<1x1x16xf32>
      tpu.vector_store %arg7[%swap3A_801, %swap3A_802, %swap3A_803], %swap3A_806 {add = true, strides = array<i32>} : memref<4x128x128xf32, #tpu.memory_space<vmem>>, vector<1x1x16xf32>,
    }
    %scan3A_424 = arith.constant 128 : i32
    %add3A_425 = arith.constant 8192 : i32
    %add3A_426 = arith.addi %add3A_425, %mul3A_2 : i32
    %add3A_427 = arith.constant 128 : i32
    %add3A_428 = arith.addi %add3A_426, %add3A_427 : i32
    %dma_start3A_429 = arith.constant 3 : i32
    %dma_start3A_430 = arith.constant 3 : i32
    %dma_start3A_431 = arith.constant 0 : i32
    %dma_start3A_432 = arith.constant 0 : i32
    %dma_start3A_433 = tpu.memref_slice %arg7[%dma_start3A_429, %dma_start3A_431, %dma_start3A_432] : memref<4x128x128xf32, #tpu.memory_space<vmem>> -> memref<1x128x128xf32, #tpu.memory_space<vmem>>
    %dma_start3A_434 = tpu.memref_squeeze %dma_start3A_433 : memref<1x128x128xf32, #tpu.memory_space<vmem>> -> memref<128x128xf32, #tpu.memory_space<vmem>>
    %dma_start3A_435 = arith.constant 0 : i32
    %dma_start3A_436 = tpu.memref_slice %arg5[%add3A_428, %dma_start3A_435] : memref<32768x128xf32, #tpu.memory_space<hbm>> -> memref<128x128xf32, #tpu.memory_space<hbm>>
    %dma_start3A_437 = tpu.memref_slice %arg10[%dma_start3A_430] : memref<4x!tpu.dma_semaphore, #tpu.memory_space<semaphore_mem>> -> memref<1x!tpu.dma_semaphore, #tpu.memory_space<semaphore_mem>>
    %dma_start3A_438 = tpu.memref_squeeze %dma_start3A_437 : memref<1x!tpu.dma_semaphore, #tpu.memory_space<semaphore_mem>> -> memref<!tpu.dma_semaphore, #tpu.memory_space<semaphore_mem>>
    %dma_start3A_439 = arith.constant 0 : i32
    %dma_start3A_440 = tpu.memref_slice %arg5[%add3A_428, %dma_start3A_439] : memref<32768x128xf32, #tpu.memory_space<hbm>> -> memref<128x128xf32, #tpu.memory_space<hbm>>
    %dma_start3A_441 = arith.constant 0 : i32
    %dma_start3A_442 = arith.constant 0 : i32
    %dma_start3A_443 = tpu.memref_slice %arg7[%dma_start3A_429, %dma_start3A_441, %dma_start3A_442] : memref<4x128x128xf32, #tpu.memory_space<vmem>> -> memref<1x128x128xf32, #tpu.memory_space<vmem>>
    %dma_start3A_444 = tpu.memref_squeeze %dma_start3A_443 : memref<1x128x128xf32, #tpu.memory_space<vmem>> -> memref<128x128xf32, #tpu.memory_space<vmem>>
    tpu.enqueue_dma source(%dma_start3A_444 : memref<128x128xf32, #tpu.memory_space<vmem>>) target(%dma_start3A_440 : memref<128x128xf32, #tpu.memory_space<hbm>>) target_semaphore(%dma_start3A_438 : memref<!tpu.dma_semaphore, #tpu.memory_space<semaphore_mem>>)
    %dma_wait3A_445 = arith.constant 3 : i32
    %dma_wait3A_446 = arith.constant 3 : i32
    %dma_wait3A_447 = arith.constant 0 : i32
    %dma_wait3A_448 = arith.constant 0 : i32
    %dma_wait3A_449 = tpu.memref_slice %arg7[%dma_wait3A_445, %dma_wait3A_447, %dma_wait3A_448] : memref<4x128x128xf32, #tpu.memory_space<vmem>> -> memref<1x128x128xf32, #tpu.memory_space<vmem>>
    %dma_wait3A_450 = tpu.memref_squeeze %dma_wait3A_449 : memref<1x128x128xf32, #tpu.memory_space<vmem>> -> memref<128x128xf32, #tpu.memory_space<vmem>>
    %dma_wait3A_451 = arith.constant 0 : i32
    %dma_wait3A_452 = tpu.memref_slice %arg5[%add3A_428, %dma_wait3A_451] : memref<32768x128xf32, #tpu.memory_space<hbm>> -> memref<128x128xf32, #tpu.memory_space<hbm>>
    %dma_wait3A_453 = tpu.memref_slice %arg10[%dma_wait3A_446] : memref<4x!tpu.dma_semaphore, #tpu.memory_space<semaphore_mem>> -> memref<1x!tpu.dma_semaphore, #tpu.memory_space<semaphore_mem>>
    %dma_wait3A_454 = tpu.memref_squeeze %dma_wait3A_453 : memref<1x!tpu.dma_semaphore, #tpu.memory_space<semaphore_mem>> -> memref<!tpu.dma_semaphore, #tpu.memory_space<semaphore_mem>>
    %dma_wait3A_455 = arith.constant 0 : i32
    %dma_wait3A_456 = tpu.memref_slice %arg5[%add3A_428, %dma_wait3A_455] : memref<32768x128xf32, #tpu.memory_space<hbm>> -> memref<128x128xf32, #tpu.memory_space<hbm>>
    %dma_wait3A_457 = arith.constant 0 : i32
    %dma_wait3A_458 = arith.constant 0 : i32
    %dma_wait3A_459 = tpu.memref_slice %arg7[%dma_wait3A_445, %dma_wait3A_457, %dma_wait3A_458] : memref<4x128x128xf32, #tpu.memory_space<vmem>> -> memref<1x128x128xf32, #tpu.memory_space<vmem>>
    %dma_wait3A_460 = tpu.memref_squeeze %dma_wait3A_459 : memref<1x128x128xf32, #tpu.memory_space<vmem>> -> memref<128x128xf32, #tpu.memory_space<vmem>>
    tpu.wait_dma2 semaphore(%dma_wait3A_454 : memref<!tpu.dma_semaphore, #tpu.memory_space<semaphore_mem>>) src(%dma_wait3A_460 : memref<128x128xf32, #tpu.memory_space<vmem>>) dst(%dma_wait3A_456 : memref<128x128xf32, #tpu.memory_space<hbm>>)
    %dma_start3A_461 = arith.constant 3 : i32
    %dma_start3A_462 = arith.constant 3 : i32
    %dma_start3A_463 = arith.constant 3 : i32
    %dma_start3A_464 = arith.constant 0 : i32
    %dma_start3A_465 = arith.constant 0 : i32
    %dma_start3A_466 = tpu.memref_slice %arg7[%dma_start3A_462, %dma_start3A_464, %dma_start3A_465] : memref<4x128x128xf32, #tpu.memory_space<vmem>> -> memref<1x128x128xf32, #tpu.memory_space<vmem>>
    %dma_start3A_467 = tpu.memref_squeeze %dma_start3A_466 : memref<1x128x128xf32, #tpu.memory_space<vmem>> -> memref<128x128xf32, #tpu.memory_space<vmem>>
    %dma_start3A_468 = arith.constant 128 : i32
    %dma_start3A_469 = tpu.memref_slice %arg6[%dma_start3A_461, %dma_start3A_468] : memref<4x256xi32, #tpu.memory_space<vmem>> -> memref<1x128xi32, #tpu.memory_space<vmem>>
    %dma_start3A_470 = tpu.memref_squeeze %dma_start3A_469 : memref<1x128xi32, #tpu.memory_space<vmem>> -> memref<128xi32, #tpu.memory_space<vmem>>
    %dma_start3A_471 = arith.constant 0 : i32
    %dma_start3A_472 = arith.constant 0 : i32
    %dma_start3A_473 = tpu.memref_slice %arg3[%dma_start3A_471, %dma_start3A_472] : memref<100000x128xf32, #tpu.memory_space<hbm>> -> memref<100000x128xf32, #tpu.memory_space<hbm>>
    %dma_start3A_474 = tpu.memref_slice %arg9[%dma_start3A_463] : memref<4x!tpu.dma_semaphore, #tpu.memory_space<semaphore_mem>> -> memref<1x!tpu.dma_semaphore, #tpu.memory_space<semaphore_mem>>
    %dma_start3A_475 = tpu.memref_squeeze %dma_start3A_474 : memref<1x!tpu.dma_semaphore, #tpu.memory_space<semaphore_mem>> -> memref<!tpu.dma_semaphore, #tpu.memory_space<semaphore_mem>>
    tpu.enqueue_indirect_dma source(%dma_start3A_473 : memref<100000x128xf32, #tpu.memory_space<hbm>>) target(%dma_start3A_467 : memref<128x128xf32, #tpu.memory_space<vmem>>) offsets(%dma_start3A_470 : memref<128xi32, #tpu.memory_space<vmem>>) semaphore(%dma_start3A_475 : memref<!tpu.dma_semaphore, #tpu.memory_space<semaphore_mem>>)
    %dma_wait3A_476 = arith.constant 2 : i32
    %dma_wait3A_477 = arith.constant 0 : i32
    %dma_wait3A_478 = arith.constant 0 : i32
    %dma_wait3A_479 = arith.constant 0 : i32
    %dma_wait3A_480 = arith.constant 0 : i32
    %dma_wait3A_481 = tpu.memref_slice %arg7[%dma_wait3A_477, %dma_wait3A_479, %dma_wait3A_480] : memref<4x128x128xf32, #tpu.memory_space<vmem>> -> memref<1x128x128xf32, #tpu.memory_space<vmem>>
    %dma_wait3A_482 = tpu.memref_squeeze %dma_wait3A_481 : memref<1x128x128xf32, #tpu.memory_space<vmem>> -> memref<128x128xf32, #tpu.memory_space<vmem>>
    %dma_wait3A_483 = arith.constant 0 : i32
    %dma_wait3A_484 = tpu.memref_slice %arg6[%dma_wait3A_476, %dma_wait3A_483] : memref<4x256xi32, #tpu.memory_space<vmem>> -> memref<1x128xi32, #tpu.memory_space<vmem>>
    %dma_wait3A_485 = tpu.memref_squeeze %dma_wait3A_484 : memref<1x128xi32, #tpu.memory_space<vmem>> -> memref<128xi32, #tpu.memory_space<vmem>>
    %dma_wait3A_486 = arith.constant 0 : i32
    %dma_wait3A_487 = arith.constant 0 : i32
    %dma_wait3A_488 = tpu.memref_slice %arg3[%dma_wait3A_486, %dma_wait3A_487] : memref<100000x128xf32, #tpu.memory_space<hbm>> -> memref<100000x128xf32, #tpu.memory_space<hbm>>
    %dma_wait3A_489 = tpu.memref_slice %arg9[%dma_wait3A_478] : memref<4x!tpu.dma_semaphore, #tpu.memory_space<semaphore_mem>> -> memref<1x!tpu.dma_semaphore, #tpu.memory_space<semaphore_mem>>
    %dma_wait3A_490 = tpu.memref_squeeze %dma_wait3A_489 : memref<1x!tpu.dma_semaphore, #tpu.memory_space<semaphore_mem>> -> memref<!tpu.dma_semaphore, #tpu.memory_space<semaphore_mem>>
    tpu.wait_indirect_dma semaphore(%dma_wait3A_490 : memref<!tpu.dma_semaphore, #tpu.memory_space<semaphore_mem>>) src(%dma_wait3A_488 : memref<100000x128xf32, #tpu.memory_space<hbm>>) dst(%dma_wait3A_482 : memref<128x128xf32, #tpu.memory_space<vmem>>)
    %scan3A_491 = arith.constant 0 : i32
    %scan3A_492 = arith.constant 0 : i32
    %scan3A_493 = arith.constant 128 : i32
    %scan3A_494 = arith.addi %scan3A_492, %scan3A_493 : i32
    %scan3A_495 = arith.constant 1 : i32
    scf.for %scan3A_704 = %scan3A_492 to %scan3A_494 step %scan3A_495  : i32 {
      %add3A_705 = arith.constant 0 : i32
      %add3A_706 = arith.addi %add3A_705, %scan3A_704 : i32
      %get3A = arith.index_cast %add3A_706 : i32 to index
      %get3A_707 = arith.constant 0 : index
      %get3A_708 = tpu.vector_load %arg8[%get3A, %get3A_707] {strides = array<i32>} : memref<256x128xf32, #tpu.memory_space<vmem>>, vector<1x16xf32>,
      %get3A_709 = vector.shape_cast %get3A_708 : vector<1x16xf32> to vector<16xf32>
      %swap3A = arith.constant 0 : i32
      %swap3A_710 = arith.index_cast %swap3A : i32 to index
      %swap3A_711 = arith.index_cast %scan3A_704 : i32 to index
      %swap3A_712 = arith.constant 0 : index
      %swap3A_713 = tpu.vector_load %arg7[%swap3A_710, %swap3A_711, %swap3A_712] {strides = array<i32>} : memref<4x128x128xf32, #tpu.memory_space<vmem>>, vector<1x1x16xf32>,
      %swap3A_714 = vector.shape_cast %swap3A_713 : vector<1x1x16xf32> to vector<16xf32>
      %swap3A_715 = vector.shape_cast %get3A_709 : vector<16xf32> to vector<1x1x16xf32>
      tpu.vector_store %arg7[%swap3A_710, %swap3A_711, %swap3A_712], %swap3A_715 {add = true, strides = array<i32>} : memref<4x128x128xf32, #tpu.memory_space<vmem>>, vector<1x1x16xf32>,
      %add3A_716 = arith.constant 0 : i32
      %add3A_717 = arith.addi %add3A_716, %scan3A_704 : i32
      %get3A_718 = arith.index_cast %add3A_717 : i32 to index
      %get3A_719 = arith.constant 16 : index
      %get3A_720 = tpu.vector_load %arg8[%get3A_718, %get3A_719] {strides = array<i32>} : memref<256x128xf32, #tpu.memory_space<vmem>>, vector<1x16xf32>,
      %get3A_721 = vector.shape_cast %get3A_720 : vector<1x16xf32> to vector<16xf32>
      %swap3A_722 = arith.constant 0 : i32
      %swap3A_723 = arith.index_cast %swap3A_722 : i32 to index
      %swap3A_724 = arith.index_cast %scan3A_704 : i32 to index
      %swap3A_725 = arith.constant 16 : index
      %swap3A_726 = tpu.vector_load %arg7[%swap3A_723, %swap3A_724, %swap3A_725] {strides = array<i32>} : memref<4x128x128xf32, #tpu.memory_space<vmem>>, vector<1x1x16xf32>,
      %swap3A_727 = vector.shape_cast %swap3A_726 : vector<1x1x16xf32> to vector<16xf32>
      %swap3A_728 = vector.shape_cast %get3A_721 : vector<16xf32> to vector<1x1x16xf32>
      tpu.vector_store %arg7[%swap3A_723, %swap3A_724, %swap3A_725], %swap3A_728 {add = true, strides = array<i32>} : memref<4x128x128xf32, #tpu.memory_space<vmem>>, vector<1x1x16xf32>,
      %add3A_729 = arith.constant 0 : i32
      %add3A_730 = arith.addi %add3A_729, %scan3A_704 : i32
      %get3A_731 = arith.index_cast %add3A_730 : i32 to index
      %get3A_732 = arith.constant 32 : index
      %get3A_733 = tpu.vector_load %arg8[%get3A_731, %get3A_732] {strides = array<i32>} : memref<256x128xf32, #tpu.memory_space<vmem>>, vector<1x16xf32>,
      %get3A_734 = vector.shape_cast %get3A_733 : vector<1x16xf32> to vector<16xf32>
      %swap3A_735 = arith.constant 0 : i32
      %swap3A_736 = arith.index_cast %swap3A_735 : i32 to index
      %swap3A_737 = arith.index_cast %scan3A_704 : i32 to index
      %swap3A_738 = arith.constant 32 : index
      %swap3A_739 = tpu.vector_load %arg7[%swap3A_736, %swap3A_737, %swap3A_738] {strides = array<i32>} : memref<4x128x128xf32, #tpu.memory_space<vmem>>, vector<1x1x16xf32>,
      %swap3A_740 = vector.shape_cast %swap3A_739 : vector<1x1x16xf32> to vector<16xf32>
      %swap3A_741 = vector.shape_cast %get3A_734 : vector<16xf32> to vector<1x1x16xf32>
      tpu.vector_store %arg7[%swap3A_736, %swap3A_737, %swap3A_738], %swap3A_741 {add = true, strides = array<i32>} : memref<4x128x128xf32, #tpu.memory_space<vmem>>, vector<1x1x16xf32>,
      %add3A_742 = arith.constant 0 : i32
      %add3A_743 = arith.addi %add3A_742, %scan3A_704 : i32
      %get3A_744 = arith.index_cast %add3A_743 : i32 to index
      %get3A_745 = arith.constant 48 : index
      %get3A_746 = tpu.vector_load %arg8[%get3A_744, %get3A_745] {strides = array<i32>} : memref<256x128xf32, #tpu.memory_space<vmem>>, vector<1x16xf32>,
      %get3A_747 = vector.shape_cast %get3A_746 : vector<1x16xf32> to vector<16xf32>
      %swap3A_748 = arith.constant 0 : i32
      %swap3A_749 = arith.index_cast %swap3A_748 : i32 to index
      %swap3A_750 = arith.index_cast %scan3A_704 : i32 to index
      %swap3A_751 = arith.constant 48 : index
      %swap3A_752 = tpu.vector_load %arg7[%swap3A_749, %swap3A_750, %swap3A_751] {strides = array<i32>} : memref<4x128x128xf32, #tpu.memory_space<vmem>>, vector<1x1x16xf32>,
      %swap3A_753 = vector.shape_cast %swap3A_752 : vector<1x1x16xf32> to vector<16xf32>
      %swap3A_754 = vector.shape_cast %get3A_747 : vector<16xf32> to vector<1x1x16xf32>
      tpu.vector_store %arg7[%swap3A_749, %swap3A_750, %swap3A_751], %swap3A_754 {add = true, strides = array<i32>} : memref<4x128x128xf32, #tpu.memory_space<vmem>>, vector<1x1x16xf32>,
      %add3A_755 = arith.constant 0 : i32
      %add3A_756 = arith.addi %add3A_755, %scan3A_704 : i32
      %get3A_757 = arith.index_cast %add3A_756 : i32 to index
      %get3A_758 = arith.constant 64 : index
      %get3A_759 = tpu.vector_load %arg8[%get3A_757, %get3A_758] {strides = array<i32>} : memref<256x128xf32, #tpu.memory_space<vmem>>, vector<1x16xf32>,
      %get3A_760 = vector.shape_cast %get3A_759 : vector<1x16xf32> to vector<16xf32>
      %swap3A_761 = arith.constant 0 : i32
      %swap3A_762 = arith.index_cast %swap3A_761 : i32 to index
      %swap3A_763 = arith.index_cast %scan3A_704 : i32 to index
      %swap3A_764 = arith.constant 64 : index
      %swap3A_765 = tpu.vector_load %arg7[%swap3A_762, %swap3A_763, %swap3A_764] {strides = array<i32>} : memref<4x128x128xf32, #tpu.memory_space<vmem>>, vector<1x1x16xf32>,
      %swap3A_766 = vector.shape_cast %swap3A_765 : vector<1x1x16xf32> to vector<16xf32>
      %swap3A_767 = vector.shape_cast %get3A_760 : vector<16xf32> to vector<1x1x16xf32>
      tpu.vector_store %arg7[%swap3A_762, %swap3A_763, %swap3A_764], %swap3A_767 {add = true, strides = array<i32>} : memref<4x128x128xf32, #tpu.memory_space<vmem>>, vector<1x1x16xf32>,
      %add3A_768 = arith.constant 0 : i32
      %add3A_769 = arith.addi %add3A_768, %scan3A_704 : i32
      %get3A_770 = arith.index_cast %add3A_769 : i32 to index
      %get3A_771 = arith.constant 80 : index
      %get3A_772 = tpu.vector_load %arg8[%get3A_770, %get3A_771] {strides = array<i32>} : memref<256x128xf32, #tpu.memory_space<vmem>>, vector<1x16xf32>,
      %get3A_773 = vector.shape_cast %get3A_772 : vector<1x16xf32> to vector<16xf32>
      %swap3A_774 = arith.constant 0 : i32
      %swap3A_775 = arith.index_cast %swap3A_774 : i32 to index
      %swap3A_776 = arith.index_cast %scan3A_704 : i32 to index
      %swap3A_777 = arith.constant 80 : index
      %swap3A_778 = tpu.vector_load %arg7[%swap3A_775, %swap3A_776, %swap3A_777] {strides = array<i32>} : memref<4x128x128xf32, #tpu.memory_space<vmem>>, vector<1x1x16xf32>,
      %swap3A_779 = vector.shape_cast %swap3A_778 : vector<1x1x16xf32> to vector<16xf32>
      %swap3A_780 = vector.shape_cast %get3A_773 : vector<16xf32> to vector<1x1x16xf32>
      tpu.vector_store %arg7[%swap3A_775, %swap3A_776, %swap3A_777], %swap3A_780 {add = true, strides = array<i32>} : memref<4x128x128xf32, #tpu.memory_space<vmem>>, vector<1x1x16xf32>,
      %add3A_781 = arith.constant 0 : i32
      %add3A_782 = arith.addi %add3A_781, %scan3A_704 : i32
      %get3A_783 = arith.index_cast %add3A_782 : i32 to index
      %get3A_784 = arith.constant 96 : index
      %get3A_785 = tpu.vector_load %arg8[%get3A_783, %get3A_784] {strides = array<i32>} : memref<256x128xf32, #tpu.memory_space<vmem>>, vector<1x16xf32>,
      %get3A_786 = vector.shape_cast %get3A_785 : vector<1x16xf32> to vector<16xf32>
      %swap3A_787 = arith.constant 0 : i32
      %swap3A_788 = arith.index_cast %swap3A_787 : i32 to index
      %swap3A_789 = arith.index_cast %scan3A_704 : i32 to index
      %swap3A_790 = arith.constant 96 : index
      %swap3A_791 = tpu.vector_load %arg7[%swap3A_788, %swap3A_789, %swap3A_790] {strides = array<i32>} : memref<4x128x128xf32, #tpu.memory_space<vmem>>, vector<1x1x16xf32>,
      %swap3A_792 = vector.shape_cast %swap3A_791 : vector<1x1x16xf32> to vector<16xf32>
      %swap3A_793 = vector.shape_cast %get3A_786 : vector<16xf32> to vector<1x1x16xf32>
      tpu.vector_store %arg7[%swap3A_788, %swap3A_789, %swap3A_790], %swap3A_793 {add = true, strides = array<i32>} : memref<4x128x128xf32, #tpu.memory_space<vmem>>, vector<1x1x16xf32>,
      %add3A_794 = arith.constant 0 : i32
      %add3A_795 = arith.addi %add3A_794, %scan3A_704 : i32
      %get3A_796 = arith.index_cast %add3A_795 : i32 to index
      %get3A_797 = arith.constant 112 : index
      %get3A_798 = tpu.vector_load %arg8[%get3A_796, %get3A_797] {strides = array<i32>} : memref<256x128xf32, #tpu.memory_space<vmem>>, vector<1x16xf32>,
      %get3A_799 = vector.shape_cast %get3A_798 : vector<1x16xf32> to vector<16xf32>
      %swap3A_800 = arith.constant 0 : i32
      %swap3A_801 = arith.index_cast %swap3A_800 : i32 to index
      %swap3A_802 = arith.index_cast %scan3A_704 : i32 to index
      %swap3A_803 = arith.constant 112 : index
      %swap3A_804 = tpu.vector_load %arg7[%swap3A_801, %swap3A_802, %swap3A_803] {strides = array<i32>} : memref<4x128x128xf32, #tpu.memory_space<vmem>>, vector<1x1x16xf32>,
      %swap3A_805 = vector.shape_cast %swap3A_804 : vector<1x1x16xf32> to vector<16xf32>
      %swap3A_806 = vector.shape_cast %get3A_799 : vector<16xf32> to vector<1x1x16xf32>
      tpu.vector_store %arg7[%swap3A_801, %swap3A_802, %swap3A_803], %swap3A_806 {add = true, strides = array<i32>} : memref<4x128x128xf32, #tpu.memory_space<vmem>>, vector<1x1x16xf32>,
    }
    %scan3A_496 = arith.constant 128 : i32
    %add3A_497 = arith.constant 16384 : i32
    %add3A_498 = arith.addi %add3A_497, %mul3A_2 : i32
    %add3A_499 = arith.constant 0 : i32
    %add3A_500 = arith.addi %add3A_498, %add3A_499 : i32
    %dma_start3A_501 = arith.constant 0 : i32
    %dma_start3A_502 = arith.constant 0 : i32
    %dma_start3A_503 = arith.constant 0 : i32
    %dma_start3A_504 = arith.constant 0 : i32
    %dma_start3A_505 = tpu.memref_slice %arg7[%dma_start3A_501, %dma_start3A_503, %dma_start3A_504] : memref<4x128x128xf32, #tpu.memory_space<vmem>> -> memref<1x128x128xf32, #tpu.memory_space<vmem>>
    %dma_start3A_506 = tpu.memref_squeeze %dma_start3A_505 : memref<1x128x128xf32, #tpu.memory_space<vmem>> -> memref<128x128xf32, #tpu.memory_space<vmem>>
    %dma_start3A_507 = arith.constant 0 : i32
    %dma_start3A_508 = tpu.memref_slice %arg5[%add3A_500, %dma_start3A_507] : memref<32768x128xf32, #tpu.memory_space<hbm>> -> memref<128x128xf32, #tpu.memory_space<hbm>>
    %dma_start3A_509 = tpu.memref_slice %arg10[%dma_start3A_502] : memref<4x!tpu.dma_semaphore, #tpu.memory_space<semaphore_mem>> -> memref<1x!tpu.dma_semaphore, #tpu.memory_space<semaphore_mem>>
    %dma_start3A_510 = tpu.memref_squeeze %dma_start3A_509 : memref<1x!tpu.dma_semaphore, #tpu.memory_space<semaphore_mem>> -> memref<!tpu.dma_semaphore, #tpu.memory_space<semaphore_mem>>
    %dma_start3A_511 = arith.constant 0 : i32
    %dma_start3A_512 = tpu.memref_slice %arg5[%add3A_500, %dma_start3A_511] : memref<32768x128xf32, #tpu.memory_space<hbm>> -> memref<128x128xf32, #tpu.memory_space<hbm>>
    %dma_start3A_513 = arith.constant 0 : i32
    %dma_start3A_514 = arith.constant 0 : i32
    %dma_start3A_515 = tpu.memref_slice %arg7[%dma_start3A_501, %dma_start3A_513, %dma_start3A_514] : memref<4x128x128xf32, #tpu.memory_space<vmem>> -> memref<1x128x128xf32, #tpu.memory_space<vmem>>
    %dma_start3A_516 = tpu.memref_squeeze %dma_start3A_515 : memref<1x128x128xf32, #tpu.memory_space<vmem>> -> memref<128x128xf32, #tpu.memory_space<vmem>>
    tpu.enqueue_dma source(%dma_start3A_516 : memref<128x128xf32, #tpu.memory_space<vmem>>) target(%dma_start3A_512 : memref<128x128xf32, #tpu.memory_space<hbm>>) target_semaphore(%dma_start3A_510 : memref<!tpu.dma_semaphore, #tpu.memory_space<semaphore_mem>>)
    %dma_wait3A_517 = arith.constant 2 : i32
    %dma_wait3A_518 = arith.constant 1 : i32
    %dma_wait3A_519 = arith.constant 1 : i32
    %dma_wait3A_520 = arith.constant 0 : i32
    %dma_wait3A_521 = arith.constant 0 : i32
    %dma_wait3A_522 = tpu.memref_slice %arg7[%dma_wait3A_518, %dma_wait3A_520, %dma_wait3A_521] : memref<4x128x128xf32, #tpu.memory_space<vmem>> -> memref<1x128x128xf32, #tpu.memory_space<vmem>>
    %dma_wait3A_523 = tpu.memref_squeeze %dma_wait3A_522 : memref<1x128x128xf32, #tpu.memory_space<vmem>> -> memref<128x128xf32, #tpu.memory_space<vmem>>
    %dma_wait3A_524 = arith.constant 128 : i32
    %dma_wait3A_525 = tpu.memref_slice %arg6[%dma_wait3A_517, %dma_wait3A_524] : memref<4x256xi32, #tpu.memory_space<vmem>> -> memref<1x128xi32, #tpu.memory_space<vmem>>
    %dma_wait3A_526 = tpu.memref_squeeze %dma_wait3A_525 : memref<1x128xi32, #tpu.memory_space<vmem>> -> memref<128xi32, #tpu.memory_space<vmem>>
    %dma_wait3A_527 = arith.constant 0 : i32
    %dma_wait3A_528 = arith.constant 0 : i32
    %dma_wait3A_529 = tpu.memref_slice %arg3[%dma_wait3A_527, %dma_wait3A_528] : memref<100000x128xf32, #tpu.memory_space<hbm>> -> memref<100000x128xf32, #tpu.memory_space<hbm>>
    %dma_wait3A_530 = tpu.memref_slice %arg9[%dma_wait3A_519] : memref<4x!tpu.dma_semaphore, #tpu.memory_space<semaphore_mem>> -> memref<1x!tpu.dma_semaphore, #tpu.memory_space<semaphore_mem>>
    %dma_wait3A_531 = tpu.memref_squeeze %dma_wait3A_530 : memref<1x!tpu.dma_semaphore, #tpu.memory_space<semaphore_mem>> -> memref<!tpu.dma_semaphore, #tpu.memory_space<semaphore_mem>>
    tpu.wait_indirect_dma semaphore(%dma_wait3A_531 : memref<!tpu.dma_semaphore, #tpu.memory_space<semaphore_mem>>) src(%dma_wait3A_529 : memref<100000x128xf32, #tpu.memory_space<hbm>>) dst(%dma_wait3A_523 : memref<128x128xf32, #tpu.memory_space<vmem>>)
    %scan3A_532 = arith.constant 0 : i32
    %scan3A_533 = arith.constant 0 : i32
    %scan3A_534 = arith.constant 128 : i32
    %scan3A_535 = arith.addi %scan3A_533, %scan3A_534 : i32
    %scan3A_536 = arith.constant 1 : i32
    scf.for %scan3A_704 = %scan3A_533 to %scan3A_535 step %scan3A_536  : i32 {
      %add3A_705 = arith.constant 128 : i32
      %add3A_706 = arith.addi %add3A_705, %scan3A_704 : i32
      %get3A = arith.index_cast %add3A_706 : i32 to index
      %get3A_707 = arith.constant 0 : index
      %get3A_708 = tpu.vector_load %arg8[%get3A, %get3A_707] {strides = array<i32>} : memref<256x128xf32, #tpu.memory_space<vmem>>, vector<1x16xf32>,
      %get3A_709 = vector.shape_cast %get3A_708 : vector<1x16xf32> to vector<16xf32>
      %swap3A = arith.constant 1 : i32
      %swap3A_710 = arith.index_cast %swap3A : i32 to index
      %swap3A_711 = arith.index_cast %scan3A_704 : i32 to index
      %swap3A_712 = arith.constant 0 : index
      %swap3A_713 = tpu.vector_load %arg7[%swap3A_710, %swap3A_711, %swap3A_712] {strides = array<i32>} : memref<4x128x128xf32, #tpu.memory_space<vmem>>, vector<1x1x16xf32>,
      %swap3A_714 = vector.shape_cast %swap3A_713 : vector<1x1x16xf32> to vector<16xf32>
      %swap3A_715 = vector.shape_cast %get3A_709 : vector<16xf32> to vector<1x1x16xf32>
      tpu.vector_store %arg7[%swap3A_710, %swap3A_711, %swap3A_712], %swap3A_715 {add = true, strides = array<i32>} : memref<4x128x128xf32, #tpu.memory_space<vmem>>, vector<1x1x16xf32>,
      %add3A_716 = arith.constant 128 : i32
      %add3A_717 = arith.addi %add3A_716, %scan3A_704 : i32
      %get3A_718 = arith.index_cast %add3A_717 : i32 to index
      %get3A_719 = arith.constant 16 : index
      %get3A_720 = tpu.vector_load %arg8[%get3A_718, %get3A_719] {strides = array<i32>} : memref<256x128xf32, #tpu.memory_space<vmem>>, vector<1x16xf32>,
      %get3A_721 = vector.shape_cast %get3A_720 : vector<1x16xf32> to vector<16xf32>
      %swap3A_722 = arith.constant 1 : i32
      %swap3A_723 = arith.index_cast %swap3A_722 : i32 to index
      %swap3A_724 = arith.index_cast %scan3A_704 : i32 to index
      %swap3A_725 = arith.constant 16 : index
      %swap3A_726 = tpu.vector_load %arg7[%swap3A_723, %swap3A_724, %swap3A_725] {strides = array<i32>} : memref<4x128x128xf32, #tpu.memory_space<vmem>>, vector<1x1x16xf32>,
      %swap3A_727 = vector.shape_cast %swap3A_726 : vector<1x1x16xf32> to vector<16xf32>
      %swap3A_728 = vector.shape_cast %get3A_721 : vector<16xf32> to vector<1x1x16xf32>
      tpu.vector_store %arg7[%swap3A_723, %swap3A_724, %swap3A_725], %swap3A_728 {add = true, strides = array<i32>} : memref<4x128x128xf32, #tpu.memory_space<vmem>>, vector<1x1x16xf32>,
      %add3A_729 = arith.constant 128 : i32
      %add3A_730 = arith.addi %add3A_729, %scan3A_704 : i32
      %get3A_731 = arith.index_cast %add3A_730 : i32 to index
      %get3A_732 = arith.constant 32 : index
      %get3A_733 = tpu.vector_load %arg8[%get3A_731, %get3A_732] {strides = array<i32>} : memref<256x128xf32, #tpu.memory_space<vmem>>, vector<1x16xf32>,
      %get3A_734 = vector.shape_cast %get3A_733 : vector<1x16xf32> to vector<16xf32>
      %swap3A_735 = arith.constant 1 : i32
      %swap3A_736 = arith.index_cast %swap3A_735 : i32 to index
      %swap3A_737 = arith.index_cast %scan3A_704 : i32 to index
      %swap3A_738 = arith.constant 32 : index
      %swap3A_739 = tpu.vector_load %arg7[%swap3A_736, %swap3A_737, %swap3A_738] {strides = array<i32>} : memref<4x128x128xf32, #tpu.memory_space<vmem>>, vector<1x1x16xf32>,
      %swap3A_740 = vector.shape_cast %swap3A_739 : vector<1x1x16xf32> to vector<16xf32>
      %swap3A_741 = vector.shape_cast %get3A_734 : vector<16xf32> to vector<1x1x16xf32>
      tpu.vector_store %arg7[%swap3A_736, %swap3A_737, %swap3A_738], %swap3A_741 {add = true, strides = array<i32>} : memref<4x128x128xf32, #tpu.memory_space<vmem>>, vector<1x1x16xf32>,
      %add3A_742 = arith.constant 128 : i32
      %add3A_743 = arith.addi %add3A_742, %scan3A_704 : i32
      %get3A_744 = arith.index_cast %add3A_743 : i32 to index
      %get3A_745 = arith.constant 48 : index
      %get3A_746 = tpu.vector_load %arg8[%get3A_744, %get3A_745] {strides = array<i32>} : memref<256x128xf32, #tpu.memory_space<vmem>>, vector<1x16xf32>,
      %get3A_747 = vector.shape_cast %get3A_746 : vector<1x16xf32> to vector<16xf32>
      %swap3A_748 = arith.constant 1 : i32
      %swap3A_749 = arith.index_cast %swap3A_748 : i32 to index
      %swap3A_750 = arith.index_cast %scan3A_704 : i32 to index
      %swap3A_751 = arith.constant 48 : index
      %swap3A_752 = tpu.vector_load %arg7[%swap3A_749, %swap3A_750, %swap3A_751] {strides = array<i32>} : memref<4x128x128xf32, #tpu.memory_space<vmem>>, vector<1x1x16xf32>,
      %swap3A_753 = vector.shape_cast %swap3A_752 : vector<1x1x16xf32> to vector<16xf32>
      %swap3A_754 = vector.shape_cast %get3A_747 : vector<16xf32> to vector<1x1x16xf32>
      tpu.vector_store %arg7[%swap3A_749, %swap3A_750, %swap3A_751], %swap3A_754 {add = true, strides = array<i32>} : memref<4x128x128xf32, #tpu.memory_space<vmem>>, vector<1x1x16xf32>,
      %add3A_755 = arith.constant 128 : i32
      %add3A_756 = arith.addi %add3A_755, %scan3A_704 : i32
      %get3A_757 = arith.index_cast %add3A_756 : i32 to index
      %get3A_758 = arith.constant 64 : index
      %get3A_759 = tpu.vector_load %arg8[%get3A_757, %get3A_758] {strides = array<i32>} : memref<256x128xf32, #tpu.memory_space<vmem>>, vector<1x16xf32>,
      %get3A_760 = vector.shape_cast %get3A_759 : vector<1x16xf32> to vector<16xf32>
      %swap3A_761 = arith.constant 1 : i32
      %swap3A_762 = arith.index_cast %swap3A_761 : i32 to index
      %swap3A_763 = arith.index_cast %scan3A_704 : i32 to index
      %swap3A_764 = arith.constant 64 : index
      %swap3A_765 = tpu.vector_load %arg7[%swap3A_762, %swap3A_763, %swap3A_764] {strides = array<i32>} : memref<4x128x128xf32, #tpu.memory_space<vmem>>, vector<1x1x16xf32>,
      %swap3A_766 = vector.shape_cast %swap3A_765 : vector<1x1x16xf32> to vector<16xf32>
      %swap3A_767 = vector.shape_cast %get3A_760 : vector<16xf32> to vector<1x1x16xf32>
      tpu.vector_store %arg7[%swap3A_762, %swap3A_763, %swap3A_764], %swap3A_767 {add = true, strides = array<i32>} : memref<4x128x128xf32, #tpu.memory_space<vmem>>, vector<1x1x16xf32>,
      %add3A_768 = arith.constant 128 : i32
      %add3A_769 = arith.addi %add3A_768, %scan3A_704 : i32
      %get3A_770 = arith.index_cast %add3A_769 : i32 to index
      %get3A_771 = arith.constant 80 : index
      %get3A_772 = tpu.vector_load %arg8[%get3A_770, %get3A_771] {strides = array<i32>} : memref<256x128xf32, #tpu.memory_space<vmem>>, vector<1x16xf32>,
      %get3A_773 = vector.shape_cast %get3A_772 : vector<1x16xf32> to vector<16xf32>
      %swap3A_774 = arith.constant 1 : i32
      %swap3A_775 = arith.index_cast %swap3A_774 : i32 to index
      %swap3A_776 = arith.index_cast %scan3A_704 : i32 to index
      %swap3A_777 = arith.constant 80 : index
      %swap3A_778 = tpu.vector_load %arg7[%swap3A_775, %swap3A_776, %swap3A_777] {strides = array<i32>} : memref<4x128x128xf32, #tpu.memory_space<vmem>>, vector<1x1x16xf32>,
      %swap3A_779 = vector.shape_cast %swap3A_778 : vector<1x1x16xf32> to vector<16xf32>
      %swap3A_780 = vector.shape_cast %get3A_773 : vector<16xf32> to vector<1x1x16xf32>
      tpu.vector_store %arg7[%swap3A_775, %swap3A_776, %swap3A_777], %swap3A_780 {add = true, strides = array<i32>} : memref<4x128x128xf32, #tpu.memory_space<vmem>>, vector<1x1x16xf32>,
      %add3A_781 = arith.constant 128 : i32
      %add3A_782 = arith.addi %add3A_781, %scan3A_704 : i32
      %get3A_783 = arith.index_cast %add3A_782 : i32 to index
      %get3A_784 = arith.constant 96 : index
      %get3A_785 = tpu.vector_load %arg8[%get3A_783, %get3A_784] {strides = array<i32>} : memref<256x128xf32, #tpu.memory_space<vmem>>, vector<1x16xf32>,
      %get3A_786 = vector.shape_cast %get3A_785 : vector<1x16xf32> to vector<16xf32>
      %swap3A_787 = arith.constant 1 : i32
      %swap3A_788 = arith.index_cast %swap3A_787 : i32 to index
      %swap3A_789 = arith.index_cast %scan3A_704 : i32 to index
      %swap3A_790 = arith.constant 96 : index
      %swap3A_791 = tpu.vector_load %arg7[%swap3A_788, %swap3A_789, %swap3A_790] {strides = array<i32>} : memref<4x128x128xf32, #tpu.memory_space<vmem>>, vector<1x1x16xf32>,
      %swap3A_792 = vector.shape_cast %swap3A_791 : vector<1x1x16xf32> to vector<16xf32>
      %swap3A_793 = vector.shape_cast %get3A_786 : vector<16xf32> to vector<1x1x16xf32>
      tpu.vector_store %arg7[%swap3A_788, %swap3A_789, %swap3A_790], %swap3A_793 {add = true, strides = array<i32>} : memref<4x128x128xf32, #tpu.memory_space<vmem>>, vector<1x1x16xf32>,
      %add3A_794 = arith.constant 128 : i32
      %add3A_795 = arith.addi %add3A_794, %scan3A_704 : i32
      %get3A_796 = arith.index_cast %add3A_795 : i32 to index
      %get3A_797 = arith.constant 112 : index
      %get3A_798 = tpu.vector_load %arg8[%get3A_796, %get3A_797] {strides = array<i32>} : memref<256x128xf32, #tpu.memory_space<vmem>>, vector<1x16xf32>,
      %get3A_799 = vector.shape_cast %get3A_798 : vector<1x16xf32> to vector<16xf32>
      %swap3A_800 = arith.constant 1 : i32
      %swap3A_801 = arith.index_cast %swap3A_800 : i32 to index
      %swap3A_802 = arith.index_cast %scan3A_704 : i32 to index
      %swap3A_803 = arith.constant 112 : index
      %swap3A_804 = tpu.vector_load %arg7[%swap3A_801, %swap3A_802, %swap3A_803] {strides = array<i32>} : memref<4x128x128xf32, #tpu.memory_space<vmem>>, vector<1x1x16xf32>,
      %swap3A_805 = vector.shape_cast %swap3A_804 : vector<1x1x16xf32> to vector<16xf32>
      %swap3A_806 = vector.shape_cast %get3A_799 : vector<16xf32> to vector<1x1x16xf32>
      tpu.vector_store %arg7[%swap3A_801, %swap3A_802, %swap3A_803], %swap3A_806 {add = true, strides = array<i32>} : memref<4x128x128xf32, #tpu.memory_space<vmem>>, vector<1x1x16xf32>,
    }
    %scan3A_537 = arith.constant 128 : i32
    %add3A_538 = arith.constant 16384 : i32
    %add3A_539 = arith.addi %add3A_538, %mul3A_2 : i32
    %add3A_540 = arith.constant 128 : i32
    %add3A_541 = arith.addi %add3A_539, %add3A_540 : i32
    %dma_start3A_542 = arith.constant 1 : i32
    %dma_start3A_543 = arith.constant 1 : i32
    %dma_start3A_544 = arith.constant 0 : i32
    %dma_start3A_545 = arith.constant 0 : i32
    %dma_start3A_546 = tpu.memref_slice %arg7[%dma_start3A_542, %dma_start3A_544, %dma_start3A_545] : memref<4x128x128xf32, #tpu.memory_space<vmem>> -> memref<1x128x128xf32, #tpu.memory_space<vmem>>
    %dma_start3A_547 = tpu.memref_squeeze %dma_start3A_546 : memref<1x128x128xf32, #tpu.memory_space<vmem>> -> memref<128x128xf32, #tpu.memory_space<vmem>>
    %dma_start3A_548 = arith.constant 0 : i32
    %dma_start3A_549 = tpu.memref_slice %arg5[%add3A_541, %dma_start3A_548] : memref<32768x128xf32, #tpu.memory_space<hbm>> -> memref<128x128xf32, #tpu.memory_space<hbm>>
    %dma_start3A_550 = tpu.memref_slice %arg10[%dma_start3A_543] : memref<4x!tpu.dma_semaphore, #tpu.memory_space<semaphore_mem>> -> memref<1x!tpu.dma_semaphore, #tpu.memory_space<semaphore_mem>>
    %dma_start3A_551 = tpu.memref_squeeze %dma_start3A_550 : memref<1x!tpu.dma_semaphore, #tpu.memory_space<semaphore_mem>> -> memref<!tpu.dma_semaphore, #tpu.memory_space<semaphore_mem>>
    %dma_start3A_552 = arith.constant 0 : i32
    %dma_start3A_553 = tpu.memref_slice %arg5[%add3A_541, %dma_start3A_552] : memref<32768x128xf32, #tpu.memory_space<hbm>> -> memref<128x128xf32, #tpu.memory_space<hbm>>
    %dma_start3A_554 = arith.constant 0 : i32
    %dma_start3A_555 = arith.constant 0 : i32
    %dma_start3A_556 = tpu.memref_slice %arg7[%dma_start3A_542, %dma_start3A_554, %dma_start3A_555] : memref<4x128x128xf32, #tpu.memory_space<vmem>> -> memref<1x128x128xf32, #tpu.memory_space<vmem>>
    %dma_start3A_557 = tpu.memref_squeeze %dma_start3A_556 : memref<1x128x128xf32, #tpu.memory_space<vmem>> -> memref<128x128xf32, #tpu.memory_space<vmem>>
    tpu.enqueue_dma source(%dma_start3A_557 : memref<128x128xf32, #tpu.memory_space<vmem>>) target(%dma_start3A_553 : memref<128x128xf32, #tpu.memory_space<hbm>>) target_semaphore(%dma_start3A_551 : memref<!tpu.dma_semaphore, #tpu.memory_space<semaphore_mem>>)
    %dma_wait3A_558 = arith.constant 3 : i32
    %dma_wait3A_559 = arith.constant 2 : i32
    %dma_wait3A_560 = arith.constant 2 : i32
    %dma_wait3A_561 = arith.constant 0 : i32
    %dma_wait3A_562 = arith.constant 0 : i32
    %dma_wait3A_563 = tpu.memref_slice %arg7[%dma_wait3A_559, %dma_wait3A_561, %dma_wait3A_562] : memref<4x128x128xf32, #tpu.memory_space<vmem>> -> memref<1x128x128xf32, #tpu.memory_space<vmem>>
    %dma_wait3A_564 = tpu.memref_squeeze %dma_wait3A_563 : memref<1x128x128xf32, #tpu.memory_space<vmem>> -> memref<128x128xf32, #tpu.memory_space<vmem>>
    %dma_wait3A_565 = arith.constant 0 : i32
    %dma_wait3A_566 = tpu.memref_slice %arg6[%dma_wait3A_558, %dma_wait3A_565] : memref<4x256xi32, #tpu.memory_space<vmem>> -> memref<1x128xi32, #tpu.memory_space<vmem>>
    %dma_wait3A_567 = tpu.memref_squeeze %dma_wait3A_566 : memref<1x128xi32, #tpu.memory_space<vmem>> -> memref<128xi32, #tpu.memory_space<vmem>>
    %dma_wait3A_568 = arith.constant 0 : i32
    %dma_wait3A_569 = arith.constant 0 : i32
    %dma_wait3A_570 = tpu.memref_slice %arg3[%dma_wait3A_568, %dma_wait3A_569] : memref<100000x128xf32, #tpu.memory_space<hbm>> -> memref<100000x128xf32, #tpu.memory_space<hbm>>
    %dma_wait3A_571 = tpu.memref_slice %arg9[%dma_wait3A_560] : memref<4x!tpu.dma_semaphore, #tpu.memory_space<semaphore_mem>> -> memref<1x!tpu.dma_semaphore, #tpu.memory_space<semaphore_mem>>
    %dma_wait3A_572 = tpu.memref_squeeze %dma_wait3A_571 : memref<1x!tpu.dma_semaphore, #tpu.memory_space<semaphore_mem>> -> memref<!tpu.dma_semaphore, #tpu.memory_space<semaphore_mem>>
    tpu.wait_indirect_dma semaphore(%dma_wait3A_572 : memref<!tpu.dma_semaphore, #tpu.memory_space<semaphore_mem>>) src(%dma_wait3A_570 : memref<100000x128xf32, #tpu.memory_space<hbm>>) dst(%dma_wait3A_564 : memref<128x128xf32, #tpu.memory_space<vmem>>)
    %scan3A_573 = arith.constant 0 : i32
    %scan3A_574 = arith.constant 0 : i32
    %scan3A_575 = arith.constant 128 : i32
    %scan3A_576 = arith.addi %scan3A_574, %scan3A_575 : i32
    %scan3A_577 = arith.constant 1 : i32
    scf.for %scan3A_704 = %scan3A_574 to %scan3A_576 step %scan3A_577  : i32 {
      %add3A_705 = arith.constant 0 : i32
      %add3A_706 = arith.addi %add3A_705, %scan3A_704 : i32
      %get3A = arith.index_cast %add3A_706 : i32 to index
      %get3A_707 = arith.constant 0 : index
      %get3A_708 = tpu.vector_load %arg8[%get3A, %get3A_707] {strides = array<i32>} : memref<256x128xf32, #tpu.memory_space<vmem>>, vector<1x16xf32>,
      %get3A_709 = vector.shape_cast %get3A_708 : vector<1x16xf32> to vector<16xf32>
      %swap3A = arith.constant 2 : i32
      %swap3A_710 = arith.index_cast %swap3A : i32 to index
      %swap3A_711 = arith.index_cast %scan3A_704 : i32 to index
      %swap3A_712 = arith.constant 0 : index
      %swap3A_713 = tpu.vector_load %arg7[%swap3A_710, %swap3A_711, %swap3A_712] {strides = array<i32>} : memref<4x128x128xf32, #tpu.memory_space<vmem>>, vector<1x1x16xf32>,
      %swap3A_714 = vector.shape_cast %swap3A_713 : vector<1x1x16xf32> to vector<16xf32>
      %swap3A_715 = vector.shape_cast %get3A_709 : vector<16xf32> to vector<1x1x16xf32>
      tpu.vector_store %arg7[%swap3A_710, %swap3A_711, %swap3A_712], %swap3A_715 {add = true, strides = array<i32>} : memref<4x128x128xf32, #tpu.memory_space<vmem>>, vector<1x1x16xf32>,
      %add3A_716 = arith.constant 0 : i32
      %add3A_717 = arith.addi %add3A_716, %scan3A_704 : i32
      %get3A_718 = arith.index_cast %add3A_717 : i32 to index
      %get3A_719 = arith.constant 16 : index
      %get3A_720 = tpu.vector_load %arg8[%get3A_718, %get3A_719] {strides = array<i32>} : memref<256x128xf32, #tpu.memory_space<vmem>>, vector<1x16xf32>,
      %get3A_721 = vector.shape_cast %get3A_720 : vector<1x16xf32> to vector<16xf32>
      %swap3A_722 = arith.constant 2 : i32
      %swap3A_723 = arith.index_cast %swap3A_722 : i32 to index
      %swap3A_724 = arith.index_cast %scan3A_704 : i32 to index
      %swap3A_725 = arith.constant 16 : index
      %swap3A_726 = tpu.vector_load %arg7[%swap3A_723, %swap3A_724, %swap3A_725] {strides = array<i32>} : memref<4x128x128xf32, #tpu.memory_space<vmem>>, vector<1x1x16xf32>,
      %swap3A_727 = vector.shape_cast %swap3A_726 : vector<1x1x16xf32> to vector<16xf32>
      %swap3A_728 = vector.shape_cast %get3A_721 : vector<16xf32> to vector<1x1x16xf32>
      tpu.vector_store %arg7[%swap3A_723, %swap3A_724, %swap3A_725], %swap3A_728 {add = true, strides = array<i32>} : memref<4x128x128xf32, #tpu.memory_space<vmem>>, vector<1x1x16xf32>,
      %add3A_729 = arith.constant 0 : i32
      %add3A_730 = arith.addi %add3A_729, %scan3A_704 : i32
      %get3A_731 = arith.index_cast %add3A_730 : i32 to index
      %get3A_732 = arith.constant 32 : index
      %get3A_733 = tpu.vector_load %arg8[%get3A_731, %get3A_732] {strides = array<i32>} : memref<256x128xf32, #tpu.memory_space<vmem>>, vector<1x16xf32>,
      %get3A_734 = vector.shape_cast %get3A_733 : vector<1x16xf32> to vector<16xf32>
      %swap3A_735 = arith.constant 2 : i32
      %swap3A_736 = arith.index_cast %swap3A_735 : i32 to index
      %swap3A_737 = arith.index_cast %scan3A_704 : i32 to index
      %swap3A_738 = arith.constant 32 : index
      %swap3A_739 = tpu.vector_load %arg7[%swap3A_736, %swap3A_737, %swap3A_738] {strides = array<i32>} : memref<4x128x128xf32, #tpu.memory_space<vmem>>, vector<1x1x16xf32>,
      %swap3A_740 = vector.shape_cast %swap3A_739 : vector<1x1x16xf32> to vector<16xf32>
      %swap3A_741 = vector.shape_cast %get3A_734 : vector<16xf32> to vector<1x1x16xf32>
      tpu.vector_store %arg7[%swap3A_736, %swap3A_737, %swap3A_738], %swap3A_741 {add = true, strides = array<i32>} : memref<4x128x128xf32, #tpu.memory_space<vmem>>, vector<1x1x16xf32>,
      %add3A_742 = arith.constant 0 : i32
      %add3A_743 = arith.addi %add3A_742, %scan3A_704 : i32
      %get3A_744 = arith.index_cast %add3A_743 : i32 to index
      %get3A_745 = arith.constant 48 : index
      %get3A_746 = tpu.vector_load %arg8[%get3A_744, %get3A_745] {strides = array<i32>} : memref<256x128xf32, #tpu.memory_space<vmem>>, vector<1x16xf32>,
      %get3A_747 = vector.shape_cast %get3A_746 : vector<1x16xf32> to vector<16xf32>
      %swap3A_748 = arith.constant 2 : i32
      %swap3A_749 = arith.index_cast %swap3A_748 : i32 to index
      %swap3A_750 = arith.index_cast %scan3A_704 : i32 to index
      %swap3A_751 = arith.constant 48 : index
      %swap3A_752 = tpu.vector_load %arg7[%swap3A_749, %swap3A_750, %swap3A_751] {strides = array<i32>} : memref<4x128x128xf32, #tpu.memory_space<vmem>>, vector<1x1x16xf32>,
      %swap3A_753 = vector.shape_cast %swap3A_752 : vector<1x1x16xf32> to vector<16xf32>
      %swap3A_754 = vector.shape_cast %get3A_747 : vector<16xf32> to vector<1x1x16xf32>
      tpu.vector_store %arg7[%swap3A_749, %swap3A_750, %swap3A_751], %swap3A_754 {add = true, strides = array<i32>} : memref<4x128x128xf32, #tpu.memory_space<vmem>>, vector<1x1x16xf32>,
      %add3A_755 = arith.constant 0 : i32
      %add3A_756 = arith.addi %add3A_755, %scan3A_704 : i32
      %get3A_757 = arith.index_cast %add3A_756 : i32 to index
      %get3A_758 = arith.constant 64 : index
      %get3A_759 = tpu.vector_load %arg8[%get3A_757, %get3A_758] {strides = array<i32>} : memref<256x128xf32, #tpu.memory_space<vmem>>, vector<1x16xf32>,
      %get3A_760 = vector.shape_cast %get3A_759 : vector<1x16xf32> to vector<16xf32>
      %swap3A_761 = arith.constant 2 : i32
      %swap3A_762 = arith.index_cast %swap3A_761 : i32 to index
      %swap3A_763 = arith.index_cast %scan3A_704 : i32 to index
      %swap3A_764 = arith.constant 64 : index
      %swap3A_765 = tpu.vector_load %arg7[%swap3A_762, %swap3A_763, %swap3A_764] {strides = array<i32>} : memref<4x128x128xf32, #tpu.memory_space<vmem>>, vector<1x1x16xf32>,
      %swap3A_766 = vector.shape_cast %swap3A_765 : vector<1x1x16xf32> to vector<16xf32>
      %swap3A_767 = vector.shape_cast %get3A_760 : vector<16xf32> to vector<1x1x16xf32>
      tpu.vector_store %arg7[%swap3A_762, %swap3A_763, %swap3A_764], %swap3A_767 {add = true, strides = array<i32>} : memref<4x128x128xf32, #tpu.memory_space<vmem>>, vector<1x1x16xf32>,
      %add3A_768 = arith.constant 0 : i32
      %add3A_769 = arith.addi %add3A_768, %scan3A_704 : i32
      %get3A_770 = arith.index_cast %add3A_769 : i32 to index
      %get3A_771 = arith.constant 80 : index
      %get3A_772 = tpu.vector_load %arg8[%get3A_770, %get3A_771] {strides = array<i32>} : memref<256x128xf32, #tpu.memory_space<vmem>>, vector<1x16xf32>,
      %get3A_773 = vector.shape_cast %get3A_772 : vector<1x16xf32> to vector<16xf32>
      %swap3A_774 = arith.constant 2 : i32
      %swap3A_775 = arith.index_cast %swap3A_774 : i32 to index
      %swap3A_776 = arith.index_cast %scan3A_704 : i32 to index
      %swap3A_777 = arith.constant 80 : index
      %swap3A_778 = tpu.vector_load %arg7[%swap3A_775, %swap3A_776, %swap3A_777] {strides = array<i32>} : memref<4x128x128xf32, #tpu.memory_space<vmem>>, vector<1x1x16xf32>,
      %swap3A_779 = vector.shape_cast %swap3A_778 : vector<1x1x16xf32> to vector<16xf32>
      %swap3A_780 = vector.shape_cast %get3A_773 : vector<16xf32> to vector<1x1x16xf32>
      tpu.vector_store %arg7[%swap3A_775, %swap3A_776, %swap3A_777], %swap3A_780 {add = true, strides = array<i32>} : memref<4x128x128xf32, #tpu.memory_space<vmem>>, vector<1x1x16xf32>,
      %add3A_781 = arith.constant 0 : i32
      %add3A_782 = arith.addi %add3A_781, %scan3A_704 : i32
      %get3A_783 = arith.index_cast %add3A_782 : i32 to index
      %get3A_784 = arith.constant 96 : index
      %get3A_785 = tpu.vector_load %arg8[%get3A_783, %get3A_784] {strides = array<i32>} : memref<256x128xf32, #tpu.memory_space<vmem>>, vector<1x16xf32>,
      %get3A_786 = vector.shape_cast %get3A_785 : vector<1x16xf32> to vector<16xf32>
      %swap3A_787 = arith.constant 2 : i32
      %swap3A_788 = arith.index_cast %swap3A_787 : i32 to index
      %swap3A_789 = arith.index_cast %scan3A_704 : i32 to index
      %swap3A_790 = arith.constant 96 : index
      %swap3A_791 = tpu.vector_load %arg7[%swap3A_788, %swap3A_789, %swap3A_790] {strides = array<i32>} : memref<4x128x128xf32, #tpu.memory_space<vmem>>, vector<1x1x16xf32>,
      %swap3A_792 = vector.shape_cast %swap3A_791 : vector<1x1x16xf32> to vector<16xf32>
      %swap3A_793 = vector.shape_cast %get3A_786 : vector<16xf32> to vector<1x1x16xf32>
      tpu.vector_store %arg7[%swap3A_788, %swap3A_789, %swap3A_790], %swap3A_793 {add = true, strides = array<i32>} : memref<4x128x128xf32, #tpu.memory_space<vmem>>, vector<1x1x16xf32>,
      %add3A_794 = arith.constant 0 : i32
      %add3A_795 = arith.addi %add3A_794, %scan3A_704 : i32
      %get3A_796 = arith.index_cast %add3A_795 : i32 to index
      %get3A_797 = arith.constant 112 : index
      %get3A_798 = tpu.vector_load %arg8[%get3A_796, %get3A_797] {strides = array<i32>} : memref<256x128xf32, #tpu.memory_space<vmem>>, vector<1x16xf32>,
      %get3A_799 = vector.shape_cast %get3A_798 : vector<1x16xf32> to vector<16xf32>
      %swap3A_800 = arith.constant 2 : i32
      %swap3A_801 = arith.index_cast %swap3A_800 : i32 to index
      %swap3A_802 = arith.index_cast %scan3A_704 : i32 to index
      %swap3A_803 = arith.constant 112 : index
      %swap3A_804 = tpu.vector_load %arg7[%swap3A_801, %swap3A_802, %swap3A_803] {strides = array<i32>} : memref<4x128x128xf32, #tpu.memory_space<vmem>>, vector<1x1x16xf32>,
      %swap3A_805 = vector.shape_cast %swap3A_804 : vector<1x1x16xf32> to vector<16xf32>
      %swap3A_806 = vector.shape_cast %get3A_799 : vector<16xf32> to vector<1x1x16xf32>
      tpu.vector_store %arg7[%swap3A_801, %swap3A_802, %swap3A_803], %swap3A_806 {add = true, strides = array<i32>} : memref<4x128x128xf32, #tpu.memory_space<vmem>>, vector<1x1x16xf32>,
    }
    %scan3A_578 = arith.constant 128 : i32
    %add3A_579 = arith.constant 24576 : i32
    %add3A_580 = arith.addi %add3A_579, %mul3A_2 : i32
    %add3A_581 = arith.constant 0 : i32
    %add3A_582 = arith.addi %add3A_580, %add3A_581 : i32
    %dma_start3A_583 = arith.constant 2 : i32
    %dma_start3A_584 = arith.constant 2 : i32
    %dma_start3A_585 = arith.constant 0 : i32
    %dma_start3A_586 = arith.constant 0 : i32
    %dma_start3A_587 = tpu.memref_slice %arg7[%dma_start3A_583, %dma_start3A_585, %dma_start3A_586] : memref<4x128x128xf32, #tpu.memory_space<vmem>> -> memref<1x128x128xf32, #tpu.memory_space<vmem>>
    %dma_start3A_588 = tpu.memref_squeeze %dma_start3A_587 : memref<1x128x128xf32, #tpu.memory_space<vmem>> -> memref<128x128xf32, #tpu.memory_space<vmem>>
    %dma_start3A_589 = arith.constant 0 : i32
    %dma_start3A_590 = tpu.memref_slice %arg5[%add3A_582, %dma_start3A_589] : memref<32768x128xf32, #tpu.memory_space<hbm>> -> memref<128x128xf32, #tpu.memory_space<hbm>>
    %dma_start3A_591 = tpu.memref_slice %arg10[%dma_start3A_584] : memref<4x!tpu.dma_semaphore, #tpu.memory_space<semaphore_mem>> -> memref<1x!tpu.dma_semaphore, #tpu.memory_space<semaphore_mem>>
    %dma_start3A_592 = tpu.memref_squeeze %dma_start3A_591 : memref<1x!tpu.dma_semaphore, #tpu.memory_space<semaphore_mem>> -> memref<!tpu.dma_semaphore, #tpu.memory_space<semaphore_mem>>
    %dma_start3A_593 = arith.constant 0 : i32
    %dma_start3A_594 = tpu.memref_slice %arg5[%add3A_582, %dma_start3A_593] : memref<32768x128xf32, #tpu.memory_space<hbm>> -> memref<128x128xf32, #tpu.memory_space<hbm>>
    %dma_start3A_595 = arith.constant 0 : i32
    %dma_start3A_596 = arith.constant 0 : i32
    %dma_start3A_597 = tpu.memref_slice %arg7[%dma_start3A_583, %dma_start3A_595, %dma_start3A_596] : memref<4x128x128xf32, #tpu.memory_space<vmem>> -> memref<1x128x128xf32, #tpu.memory_space<vmem>>
    %dma_start3A_598 = tpu.memref_squeeze %dma_start3A_597 : memref<1x128x128xf32, #tpu.memory_space<vmem>> -> memref<128x128xf32, #tpu.memory_space<vmem>>
    tpu.enqueue_dma source(%dma_start3A_598 : memref<128x128xf32, #tpu.memory_space<vmem>>) target(%dma_start3A_594 : memref<128x128xf32, #tpu.memory_space<hbm>>) target_semaphore(%dma_start3A_592 : memref<!tpu.dma_semaphore, #tpu.memory_space<semaphore_mem>>)
    %dma_wait3A_599 = arith.constant 3 : i32
    %dma_wait3A_600 = arith.constant 3 : i32
    %dma_wait3A_601 = arith.constant 3 : i32
    %dma_wait3A_602 = arith.constant 0 : i32
    %dma_wait3A_603 = arith.constant 0 : i32
    %dma_wait3A_604 = tpu.memref_slice %arg7[%dma_wait3A_600, %dma_wait3A_602, %dma_wait3A_603] : memref<4x128x128xf32, #tpu.memory_space<vmem>> -> memref<1x128x128xf32, #tpu.memory_space<vmem>>
    %dma_wait3A_605 = tpu.memref_squeeze %dma_wait3A_604 : memref<1x128x128xf32, #tpu.memory_space<vmem>> -> memref<128x128xf32, #tpu.memory_space<vmem>>
    %dma_wait3A_606 = arith.constant 128 : i32
    %dma_wait3A_607 = tpu.memref_slice %arg6[%dma_wait3A_599, %dma_wait3A_606] : memref<4x256xi32, #tpu.memory_space<vmem>> -> memref<1x128xi32, #tpu.memory_space<vmem>>
    %dma_wait3A_608 = tpu.memref_squeeze %dma_wait3A_607 : memref<1x128xi32, #tpu.memory_space<vmem>> -> memref<128xi32, #tpu.memory_space<vmem>>
    %dma_wait3A_609 = arith.constant 0 : i32
    %dma_wait3A_610 = arith.constant 0 : i32
    %dma_wait3A_611 = tpu.memref_slice %arg3[%dma_wait3A_609, %dma_wait3A_610] : memref<100000x128xf32, #tpu.memory_space<hbm>> -> memref<100000x128xf32, #tpu.memory_space<hbm>>
    %dma_wait3A_612 = tpu.memref_slice %arg9[%dma_wait3A_601] : memref<4x!tpu.dma_semaphore, #tpu.memory_space<semaphore_mem>> -> memref<1x!tpu.dma_semaphore, #tpu.memory_space<semaphore_mem>>
    %dma_wait3A_613 = tpu.memref_squeeze %dma_wait3A_612 : memref<1x!tpu.dma_semaphore, #tpu.memory_space<semaphore_mem>> -> memref<!tpu.dma_semaphore, #tpu.memory_space<semaphore_mem>>
    tpu.wait_indirect_dma semaphore(%dma_wait3A_613 : memref<!tpu.dma_semaphore, #tpu.memory_space<semaphore_mem>>) src(%dma_wait3A_611 : memref<100000x128xf32, #tpu.memory_space<hbm>>) dst(%dma_wait3A_605 : memref<128x128xf32, #tpu.memory_space<vmem>>)
    %scan3A_614 = arith.constant 0 : i32
    %scan3A_615 = arith.constant 0 : i32
    %scan3A_616 = arith.constant 128 : i32
    %scan3A_617 = arith.addi %scan3A_615, %scan3A_616 : i32
    %scan3A_618 = arith.constant 1 : i32
    scf.for %scan3A_704 = %scan3A_615 to %scan3A_617 step %scan3A_618  : i32 {
      %add3A_705 = arith.constant 128 : i32
      %add3A_706 = arith.addi %add3A_705, %scan3A_704 : i32
      %get3A = arith.index_cast %add3A_706 : i32 to index
      %get3A_707 = arith.constant 0 : index
      %get3A_708 = tpu.vector_load %arg8[%get3A, %get3A_707] {strides = array<i32>} : memref<256x128xf32, #tpu.memory_space<vmem>>, vector<1x16xf32>,
      %get3A_709 = vector.shape_cast %get3A_708 : vector<1x16xf32> to vector<16xf32>
      %swap3A = arith.constant 3 : i32
      %swap3A_710 = arith.index_cast %swap3A : i32 to index
      %swap3A_711 = arith.index_cast %scan3A_704 : i32 to index
      %swap3A_712 = arith.constant 0 : index
      %swap3A_713 = tpu.vector_load %arg7[%swap3A_710, %swap3A_711, %swap3A_712] {strides = array<i32>} : memref<4x128x128xf32, #tpu.memory_space<vmem>>, vector<1x1x16xf32>,
      %swap3A_714 = vector.shape_cast %swap3A_713 : vector<1x1x16xf32> to vector<16xf32>
      %swap3A_715 = vector.shape_cast %get3A_709 : vector<16xf32> to vector<1x1x16xf32>
      tpu.vector_store %arg7[%swap3A_710, %swap3A_711, %swap3A_712], %swap3A_715 {add = true, strides = array<i32>} : memref<4x128x128xf32, #tpu.memory_space<vmem>>, vector<1x1x16xf32>,
      %add3A_716 = arith.constant 128 : i32
      %add3A_717 = arith.addi %add3A_716, %scan3A_704 : i32
      %get3A_718 = arith.index_cast %add3A_717 : i32 to index
      %get3A_719 = arith.constant 16 : index
      %get3A_720 = tpu.vector_load %arg8[%get3A_718, %get3A_719] {strides = array<i32>} : memref<256x128xf32, #tpu.memory_space<vmem>>, vector<1x16xf32>,
      %get3A_721 = vector.shape_cast %get3A_720 : vector<1x16xf32> to vector<16xf32>
      %swap3A_722 = arith.constant 3 : i32
      %swap3A_723 = arith.index_cast %swap3A_722 : i32 to index
      %swap3A_724 = arith.index_cast %scan3A_704 : i32 to index
      %swap3A_725 = arith.constant 16 : index
      %swap3A_726 = tpu.vector_load %arg7[%swap3A_723, %swap3A_724, %swap3A_725] {strides = array<i32>} : memref<4x128x128xf32, #tpu.memory_space<vmem>>, vector<1x1x16xf32>,
      %swap3A_727 = vector.shape_cast %swap3A_726 : vector<1x1x16xf32> to vector<16xf32>
      %swap3A_728 = vector.shape_cast %get3A_721 : vector<16xf32> to vector<1x1x16xf32>
      tpu.vector_store %arg7[%swap3A_723, %swap3A_724, %swap3A_725], %swap3A_728 {add = true, strides = array<i32>} : memref<4x128x128xf32, #tpu.memory_space<vmem>>, vector<1x1x16xf32>,
      %add3A_729 = arith.constant 128 : i32
      %add3A_730 = arith.addi %add3A_729, %scan3A_704 : i32
      %get3A_731 = arith.index_cast %add3A_730 : i32 to index
      %get3A_732 = arith.constant 32 : index
      %get3A_733 = tpu.vector_load %arg8[%get3A_731, %get3A_732] {strides = array<i32>} : memref<256x128xf32, #tpu.memory_space<vmem>>, vector<1x16xf32>,
      %get3A_734 = vector.shape_cast %get3A_733 : vector<1x16xf32> to vector<16xf32>
      %swap3A_735 = arith.constant 3 : i32
      %swap3A_736 = arith.index_cast %swap3A_735 : i32 to index
      %swap3A_737 = arith.index_cast %scan3A_704 : i32 to index
      %swap3A_738 = arith.constant 32 : index
      %swap3A_739 = tpu.vector_load %arg7[%swap3A_736, %swap3A_737, %swap3A_738] {strides = array<i32>} : memref<4x128x128xf32, #tpu.memory_space<vmem>>, vector<1x1x16xf32>,
      %swap3A_740 = vector.shape_cast %swap3A_739 : vector<1x1x16xf32> to vector<16xf32>
      %swap3A_741 = vector.shape_cast %get3A_734 : vector<16xf32> to vector<1x1x16xf32>
      tpu.vector_store %arg7[%swap3A_736, %swap3A_737, %swap3A_738], %swap3A_741 {add = true, strides = array<i32>} : memref<4x128x128xf32, #tpu.memory_space<vmem>>, vector<1x1x16xf32>,
      %add3A_742 = arith.constant 128 : i32
      %add3A_743 = arith.addi %add3A_742, %scan3A_704 : i32
      %get3A_744 = arith.index_cast %add3A_743 : i32 to index
      %get3A_745 = arith.constant 48 : index
      %get3A_746 = tpu.vector_load %arg8[%get3A_744, %get3A_745] {strides = array<i32>} : memref<256x128xf32, #tpu.memory_space<vmem>>, vector<1x16xf32>,
      %get3A_747 = vector.shape_cast %get3A_746 : vector<1x16xf32> to vector<16xf32>
      %swap3A_748 = arith.constant 3 : i32
      %swap3A_749 = arith.index_cast %swap3A_748 : i32 to index
      %swap3A_750 = arith.index_cast %scan3A_704 : i32 to index
      %swap3A_751 = arith.constant 48 : index
      %swap3A_752 = tpu.vector_load %arg7[%swap3A_749, %swap3A_750, %swap3A_751] {strides = array<i32>} : memref<4x128x128xf32, #tpu.memory_space<vmem>>, vector<1x1x16xf32>,
      %swap3A_753 = vector.shape_cast %swap3A_752 : vector<1x1x16xf32> to vector<16xf32>
      %swap3A_754 = vector.shape_cast %get3A_747 : vector<16xf32> to vector<1x1x16xf32>
      tpu.vector_store %arg7[%swap3A_749, %swap3A_750, %swap3A_751], %swap3A_754 {add = true, strides = array<i32>} : memref<4x128x128xf32, #tpu.memory_space<vmem>>, vector<1x1x16xf32>,
      %add3A_755 = arith.constant 128 : i32
      %add3A_756 = arith.addi %add3A_755, %scan3A_704 : i32
      %get3A_757 = arith.index_cast %add3A_756 : i32 to index
      %get3A_758 = arith.constant 64 : index
      %get3A_759 = tpu.vector_load %arg8[%get3A_757, %get3A_758] {strides = array<i32>} : memref<256x128xf32, #tpu.memory_space<vmem>>, vector<1x16xf32>,
      %get3A_760 = vector.shape_cast %get3A_759 : vector<1x16xf32> to vector<16xf32>
      %swap3A_761 = arith.constant 3 : i32
      %swap3A_762 = arith.index_cast %swap3A_761 : i32 to index
      %swap3A_763 = arith.index_cast %scan3A_704 : i32 to index
      %swap3A_764 = arith.constant 64 : index
      %swap3A_765 = tpu.vector_load %arg7[%swap3A_762, %swap3A_763, %swap3A_764] {strides = array<i32>} : memref<4x128x128xf32, #tpu.memory_space<vmem>>, vector<1x1x16xf32>,
      %swap3A_766 = vector.shape_cast %swap3A_765 : vector<1x1x16xf32> to vector<16xf32>
      %swap3A_767 = vector.shape_cast %get3A_760 : vector<16xf32> to vector<1x1x16xf32>
      tpu.vector_store %arg7[%swap3A_762, %swap3A_763, %swap3A_764], %swap3A_767 {add = true, strides = array<i32>} : memref<4x128x128xf32, #tpu.memory_space<vmem>>, vector<1x1x16xf32>,
      %add3A_768 = arith.constant 128 : i32
      %add3A_769 = arith.addi %add3A_768, %scan3A_704 : i32
      %get3A_770 = arith.index_cast %add3A_769 : i32 to index
      %get3A_771 = arith.constant 80 : index
      %get3A_772 = tpu.vector_load %arg8[%get3A_770, %get3A_771] {strides = array<i32>} : memref<256x128xf32, #tpu.memory_space<vmem>>, vector<1x16xf32>,
      %get3A_773 = vector.shape_cast %get3A_772 : vector<1x16xf32> to vector<16xf32>
      %swap3A_774 = arith.constant 3 : i32
      %swap3A_775 = arith.index_cast %swap3A_774 : i32 to index
      %swap3A_776 = arith.index_cast %scan3A_704 : i32 to index
      %swap3A_777 = arith.constant 80 : index
      %swap3A_778 = tpu.vector_load %arg7[%swap3A_775, %swap3A_776, %swap3A_777] {strides = array<i32>} : memref<4x128x128xf32, #tpu.memory_space<vmem>>, vector<1x1x16xf32>,
      %swap3A_779 = vector.shape_cast %swap3A_778 : vector<1x1x16xf32> to vector<16xf32>
      %swap3A_780 = vector.shape_cast %get3A_773 : vector<16xf32> to vector<1x1x16xf32>
      tpu.vector_store %arg7[%swap3A_775, %swap3A_776, %swap3A_777], %swap3A_780 {add = true, strides = array<i32>} : memref<4x128x128xf32, #tpu.memory_space<vmem>>, vector<1x1x16xf32>,
      %add3A_781 = arith.constant 128 : i32
      %add3A_782 = arith.addi %add3A_781, %scan3A_704 : i32
      %get3A_783 = arith.index_cast %add3A_782 : i32 to index
      %get3A_784 = arith.constant 96 : index
      %get3A_785 = tpu.vector_load %arg8[%get3A_783, %get3A_784] {strides = array<i32>} : memref<256x128xf32, #tpu.memory_space<vmem>>, vector<1x16xf32>,
      %get3A_786 = vector.shape_cast %get3A_785 : vector<1x16xf32> to vector<16xf32>
      %swap3A_787 = arith.constant 3 : i32
      %swap3A_788 = arith.index_cast %swap3A_787 : i32 to index
      %swap3A_789 = arith.index_cast %scan3A_704 : i32 to index
      %swap3A_790 = arith.constant 96 : index
      %swap3A_791 = tpu.vector_load %arg7[%swap3A_788, %swap3A_789, %swap3A_790] {strides = array<i32>} : memref<4x128x128xf32, #tpu.memory_space<vmem>>, vector<1x1x16xf32>,
      %swap3A_792 = vector.shape_cast %swap3A_791 : vector<1x1x16xf32> to vector<16xf32>
      %swap3A_793 = vector.shape_cast %get3A_786 : vector<16xf32> to vector<1x1x16xf32>
      tpu.vector_store %arg7[%swap3A_788, %swap3A_789, %swap3A_790], %swap3A_793 {add = true, strides = array<i32>} : memref<4x128x128xf32, #tpu.memory_space<vmem>>, vector<1x1x16xf32>,
      %add3A_794 = arith.constant 128 : i32
      %add3A_795 = arith.addi %add3A_794, %scan3A_704 : i32
      %get3A_796 = arith.index_cast %add3A_795 : i32 to index
      %get3A_797 = arith.constant 112 : index
      %get3A_798 = tpu.vector_load %arg8[%get3A_796, %get3A_797] {strides = array<i32>} : memref<256x128xf32, #tpu.memory_space<vmem>>, vector<1x16xf32>,
      %get3A_799 = vector.shape_cast %get3A_798 : vector<1x16xf32> to vector<16xf32>
      %swap3A_800 = arith.constant 3 : i32
      %swap3A_801 = arith.index_cast %swap3A_800 : i32 to index
      %swap3A_802 = arith.index_cast %scan3A_704 : i32 to index
      %swap3A_803 = arith.constant 112 : index
      %swap3A_804 = tpu.vector_load %arg7[%swap3A_801, %swap3A_802, %swap3A_803] {strides = array<i32>} : memref<4x128x128xf32, #tpu.memory_space<vmem>>, vector<1x1x16xf32>,
      %swap3A_805 = vector.shape_cast %swap3A_804 : vector<1x1x16xf32> to vector<16xf32>
      %swap3A_806 = vector.shape_cast %get3A_799 : vector<16xf32> to vector<1x1x16xf32>
      tpu.vector_store %arg7[%swap3A_801, %swap3A_802, %swap3A_803], %swap3A_806 {add = true, strides = array<i32>} : memref<4x128x128xf32, #tpu.memory_space<vmem>>, vector<1x1x16xf32>,
    }
    %scan3A_619 = arith.constant 128 : i32
    %add3A_620 = arith.constant 24576 : i32
    %add3A_621 = arith.addi %add3A_620, %mul3A_2 : i32
    %add3A_622 = arith.constant 128 : i32
    %add3A_623 = arith.addi %add3A_621, %add3A_622 : i32
    %dma_start3A_624 = arith.constant 3 : i32
    %dma_start3A_625 = arith.constant 3 : i32
    %dma_start3A_626 = arith.constant 0 : i32
    %dma_start3A_627 = arith.constant 0 : i32
    %dma_start3A_628 = tpu.memref_slice %arg7[%dma_start3A_624, %dma_start3A_626, %dma_start3A_627] : memref<4x128x128xf32, #tpu.memory_space<vmem>> -> memref<1x128x128xf32, #tpu.memory_space<vmem>>
    %dma_start3A_629 = tpu.memref_squeeze %dma_start3A_628 : memref<1x128x128xf32, #tpu.memory_space<vmem>> -> memref<128x128xf32, #tpu.memory_space<vmem>>
    %dma_start3A_630 = arith.constant 0 : i32
    %dma_start3A_631 = tpu.memref_slice %arg5[%add3A_623, %dma_start3A_630] : memref<32768x128xf32, #tpu.memory_space<hbm>> -> memref<128x128xf32, #tpu.memory_space<hbm>>
    %dma_start3A_632 = tpu.memref_slice %arg10[%dma_start3A_625] : memref<4x!tpu.dma_semaphore, #tpu.memory_space<semaphore_mem>> -> memref<1x!tpu.dma_semaphore, #tpu.memory_space<semaphore_mem>>
    %dma_start3A_633 = tpu.memref_squeeze %dma_start3A_632 : memref<1x!tpu.dma_semaphore, #tpu.memory_space<semaphore_mem>> -> memref<!tpu.dma_semaphore, #tpu.memory_space<semaphore_mem>>
    %dma_start3A_634 = arith.constant 0 : i32
    %dma_start3A_635 = tpu.memref_slice %arg5[%add3A_623, %dma_start3A_634] : memref<32768x128xf32, #tpu.memory_space<hbm>> -> memref<128x128xf32, #tpu.memory_space<hbm>>
    %dma_start3A_636 = arith.constant 0 : i32
    %dma_start3A_637 = arith.constant 0 : i32
    %dma_start3A_638 = tpu.memref_slice %arg7[%dma_start3A_624, %dma_start3A_636, %dma_start3A_637] : memref<4x128x128xf32, #tpu.memory_space<vmem>> -> memref<1x128x128xf32, #tpu.memory_space<vmem>>
    %dma_start3A_639 = tpu.memref_squeeze %dma_start3A_638 : memref<1x128x128xf32, #tpu.memory_space<vmem>> -> memref<128x128xf32, #tpu.memory_space<vmem>>
    tpu.enqueue_dma source(%dma_start3A_639 : memref<128x128xf32, #tpu.memory_space<vmem>>) target(%dma_start3A_635 : memref<128x128xf32, #tpu.memory_space<hbm>>) target_semaphore(%dma_start3A_633 : memref<!tpu.dma_semaphore, #tpu.memory_space<semaphore_mem>>)
    %dma_wait3A_640 = arith.constant 0 : i32
    %dma_wait3A_641 = arith.constant 0 : i32
    %dma_wait3A_642 = arith.constant 0 : i32
    %dma_wait3A_643 = arith.constant 0 : i32
    %dma_wait3A_644 = tpu.memref_slice %arg7[%dma_wait3A_640, %dma_wait3A_642, %dma_wait3A_643] : memref<4x128x128xf32, #tpu.memory_space<vmem>> -> memref<1x128x128xf32, #tpu.memory_space<vmem>>
    %dma_wait3A_645 = tpu.memref_squeeze %dma_wait3A_644 : memref<1x128x128xf32, #tpu.memory_space<vmem>> -> memref<128x128xf32, #tpu.memory_space<vmem>>
    %dma_wait3A_646 = arith.constant 0 : i32
    %dma_wait3A_647 = tpu.memref_slice %arg5[%add3A_500, %dma_wait3A_646] : memref<32768x128xf32, #tpu.memory_space<hbm>> -> memref<128x128xf32, #tpu.memory_space<hbm>>
    %dma_wait3A_648 = tpu.memref_slice %arg10[%dma_wait3A_641] : memref<4x!tpu.dma_semaphore, #tpu.memory_space<semaphore_mem>> -> memref<1x!tpu.dma_semaphore, #tpu.memory_space<semaphore_mem>>
    %dma_wait3A_649 = tpu.memref_squeeze %dma_wait3A_648 : memref<1x!tpu.dma_semaphore, #tpu.memory_space<semaphore_mem>> -> memref<!tpu.dma_semaphore, #tpu.memory_space<semaphore_mem>>
    %dma_wait3A_650 = arith.constant 0 : i32
    %dma_wait3A_651 = tpu.memref_slice %arg5[%add3A_500, %dma_wait3A_650] : memref<32768x128xf32, #tpu.memory_space<hbm>> -> memref<128x128xf32, #tpu.memory_space<hbm>>
    %dma_wait3A_652 = arith.constant 0 : i32
    %dma_wait3A_653 = arith.constant 0 : i32
    %dma_wait3A_654 = tpu.memref_slice %arg7[%dma_wait3A_640, %dma_wait3A_652, %dma_wait3A_653] : memref<4x128x128xf32, #tpu.memory_space<vmem>> -> memref<1x128x128xf32, #tpu.memory_space<vmem>>
    %dma_wait3A_655 = tpu.memref_squeeze %dma_wait3A_654 : memref<1x128x128xf32, #tpu.memory_space<vmem>> -> memref<128x128xf32, #tpu.memory_space<vmem>>
    tpu.wait_dma2 semaphore(%dma_wait3A_649 : memref<!tpu.dma_semaphore, #tpu.memory_space<semaphore_mem>>) src(%dma_wait3A_655 : memref<128x128xf32, #tpu.memory_space<vmem>>) dst(%dma_wait3A_651 : memref<128x128xf32, #tpu.memory_space<hbm>>)
    %dma_wait3A_656 = arith.constant 1 : i32
    %dma_wait3A_657 = arith.constant 1 : i32
    %dma_wait3A_658 = arith.constant 0 : i32
    %dma_wait3A_659 = arith.constant 0 : i32
    %dma_wait3A_660 = tpu.memref_slice %arg7[%dma_wait3A_656, %dma_wait3A_658, %dma_wait3A_659] : memref<4x128x128xf32, #tpu.memory_space<vmem>> -> memref<1x128x128xf32, #tpu.memory_space<vmem>>
    %dma_wait3A_661 = tpu.memref_squeeze %dma_wait3A_660 : memref<1x128x128xf32, #tpu.memory_space<vmem>> -> memref<128x128xf32, #tpu.memory_space<vmem>>
    %dma_wait3A_662 = arith.constant 0 : i32
    %dma_wait3A_663 = tpu.memref_slice %arg5[%add3A_541, %dma_wait3A_662] : memref<32768x128xf32, #tpu.memory_space<hbm>> -> memref<128x128xf32, #tpu.memory_space<hbm>>
    %dma_wait3A_664 = tpu.memref_slice %arg10[%dma_wait3A_657] : memref<4x!tpu.dma_semaphore, #tpu.memory_space<semaphore_mem>> -> memref<1x!tpu.dma_semaphore, #tpu.memory_space<semaphore_mem>>
    %dma_wait3A_665 = tpu.memref_squeeze %dma_wait3A_664 : memref<1x!tpu.dma_semaphore, #tpu.memory_space<semaphore_mem>> -> memref<!tpu.dma_semaphore, #tpu.memory_space<semaphore_mem>>
    %dma_wait3A_666 = arith.constant 0 : i32
    %dma_wait3A_667 = tpu.memref_slice %arg5[%add3A_541, %dma_wait3A_666] : memref<32768x128xf32, #tpu.memory_space<hbm>> -> memref<128x128xf32, #tpu.memory_space<hbm>>
    %dma_wait3A_668 = arith.constant 0 : i32
    %dma_wait3A_669 = arith.constant 0 : i32
    %dma_wait3A_670 = tpu.memref_slice %arg7[%dma_wait3A_656, %dma_wait3A_668, %dma_wait3A_669] : memref<4x128x128xf32, #tpu.memory_space<vmem>> -> memref<1x128x128xf32, #tpu.memory_space<vmem>>
    %dma_wait3A_671 = tpu.memref_squeeze %dma_wait3A_670 : memref<1x128x128xf32, #tpu.memory_space<vmem>> -> memref<128x128xf32, #tpu.memory_space<vmem>>
    tpu.wait_dma2 semaphore(%dma_wait3A_665 : memref<!tpu.dma_semaphore, #tpu.memory_space<semaphore_mem>>) src(%dma_wait3A_671 : memref<128x128xf32, #tpu.memory_space<vmem>>) dst(%dma_wait3A_667 : memref<128x128xf32, #tpu.memory_space<hbm>>)
    %dma_wait3A_672 = arith.constant 2 : i32
    %dma_wait3A_673 = arith.constant 2 : i32
    %dma_wait3A_674 = arith.constant 0 : i32
    %dma_wait3A_675 = arith.constant 0 : i32
    %dma_wait3A_676 = tpu.memref_slice %arg7[%dma_wait3A_672, %dma_wait3A_674, %dma_wait3A_675] : memref<4x128x128xf32, #tpu.memory_space<vmem>> -> memref<1x128x128xf32, #tpu.memory_space<vmem>>
    %dma_wait3A_677 = tpu.memref_squeeze %dma_wait3A_676 : memref<1x128x128xf32, #tpu.memory_space<vmem>> -> memref<128x128xf32, #tpu.memory_space<vmem>>
    %dma_wait3A_678 = arith.constant 0 : i32
    %dma_wait3A_679 = tpu.memref_slice %arg5[%add3A_582, %dma_wait3A_678] : memref<32768x128xf32, #tpu.memory_space<hbm>> -> memref<128x128xf32, #tpu.memory_space<hbm>>
    %dma_wait3A_680 = tpu.memref_slice %arg10[%dma_wait3A_673] : memref<4x!tpu.dma_semaphore, #tpu.memory_space<semaphore_mem>> -> memref<1x!tpu.dma_semaphore, #tpu.memory_space<semaphore_mem>>
    %dma_wait3A_681 = tpu.memref_squeeze %dma_wait3A_680 : memref<1x!tpu.dma_semaphore, #tpu.memory_space<semaphore_mem>> -> memref<!tpu.dma_semaphore, #tpu.memory_space<semaphore_mem>>
    %dma_wait3A_682 = arith.constant 0 : i32
    %dma_wait3A_683 = tpu.memref_slice %arg5[%add3A_582, %dma_wait3A_682] : memref<32768x128xf32, #tpu.memory_space<hbm>> -> memref<128x128xf32, #tpu.memory_space<hbm>>
    %dma_wait3A_684 = arith.constant 0 : i32
    %dma_wait3A_685 = arith.constant 0 : i32
    %dma_wait3A_686 = tpu.memref_slice %arg7[%dma_wait3A_672, %dma_wait3A_684, %dma_wait3A_685] : memref<4x128x128xf32, #tpu.memory_space<vmem>> -> memref<1x128x128xf32, #tpu.memory_space<vmem>>
    %dma_wait3A_687 = tpu.memref_squeeze %dma_wait3A_686 : memref<1x128x128xf32, #tpu.memory_space<vmem>> -> memref<128x128xf32, #tpu.memory_space<vmem>>
    tpu.wait_dma2 semaphore(%dma_wait3A_681 : memref<!tpu.dma_semaphore, #tpu.memory_space<semaphore_mem>>) src(%dma_wait3A_687 : memref<128x128xf32, #tpu.memory_space<vmem>>) dst(%dma_wait3A_683 : memref<128x128xf32, #tpu.memory_space<hbm>>)
    %dma_wait3A_688 = arith.constant 3 : i32
    %dma_wait3A_689 = arith.constant 3 : i32
    %dma_wait3A_690 = arith.constant 0 : i32
    %dma_wait3A_691 = arith.constant 0 : i32
    %dma_wait3A_692 = tpu.memref_slice %arg7[%dma_wait3A_688, %dma_wait3A_690, %dma_wait3A_691] : memref<4x128x128xf32, #tpu.memory_space<vmem>> -> memref<1x128x128xf32, #tpu.memory_space<vmem>>
    %dma_wait3A_693 = tpu.memref_squeeze %dma_wait3A_692 : memref<1x128x128xf32, #tpu.memory_space<vmem>> -> memref<128x128xf32, #tpu.memory_space<vmem>>
    %dma_wait3A_694 = arith.constant 0 : i32
    %dma_wait3A_695 = tpu.memref_slice %arg5[%add3A_623, %dma_wait3A_694] : memref<32768x128xf32, #tpu.memory_space<hbm>> -> memref<128x128xf32, #tpu.memory_space<hbm>>
    %dma_wait3A_696 = tpu.memref_slice %arg10[%dma_wait3A_689] : memref<4x!tpu.dma_semaphore, #tpu.memory_space<semaphore_mem>> -> memref<1x!tpu.dma_semaphore, #tpu.memory_space<semaphore_mem>>
    %dma_wait3A_697 = tpu.memref_squeeze %dma_wait3A_696 : memref<1x!tpu.dma_semaphore, #tpu.memory_space<semaphore_mem>> -> memref<!tpu.dma_semaphore, #tpu.memory_space<semaphore_mem>>
    %dma_wait3A_698 = arith.constant 0 : i32
    %dma_wait3A_699 = tpu.memref_slice %arg5[%add3A_623, %dma_wait3A_698] : memref<32768x128xf32, #tpu.memory_space<hbm>> -> memref<128x128xf32, #tpu.memory_space<hbm>>
    %dma_wait3A_700 = arith.constant 0 : i32
    %dma_wait3A_701 = arith.constant 0 : i32
    %dma_wait3A_702 = tpu.memref_slice %arg7[%dma_wait3A_688, %dma_wait3A_700, %dma_wait3A_701] : memref<4x128x128xf32, #tpu.memory_space<vmem>> -> memref<1x128x128xf32, #tpu.memory_space<vmem>>
    %dma_wait3A_703 = tpu.memref_squeeze %dma_wait3A_702 : memref<1x128x128xf32, #tpu.memory_space<vmem>> -> memref<128x128xf32, #tpu.memory_space<vmem>>
    tpu.wait_dma2 semaphore(%dma_wait3A_697 : memref<!tpu.dma_semaphore, #tpu.memory_space<semaphore_mem>>) src(%dma_wait3A_703 : memref<128x128xf32, #tpu.memory_space<vmem>>) dst(%dma_wait3A_699 : memref<128x128xf32, #tpu.memory_space<hbm>>)
    return
  }
}

</mosaic_0001>

<sc_bundles>
// kernel: _run.3.cloned.1.call-start
scs
__scs_entry_jumppad:
0x0: {  	(pc) =	sbr.rel $0x88, $3  }
0x1: {  	(tag) =	ssettag $0x0;
	lr =	simm.s32 $0x1  }
0x2: {  	[smem:$0x3F9E] =	sst lr;
	_ =	strace $0xD0000000  }
0x3: {  	_ = 	snop  }
0x4: {  	_ = 	snop  }
0x5: {  	_ = 	snop  }
0x6: {  	_ = 	snop  }
0x7: {  	_ = 	snop  }
__scs_overlays_trampoline_lowered:
0x8: {  	[smem:$0x3FAD] =	sst s0  }
0x9: {  	[smem:$0x3FAE] =	sst s1  }
0xa: {  	[smem:$0x3FAF] =	sst s2  }
0xb: {  	[smem:$0x3FB0] =	sst s3  }
0xc: {  	[smem:$0x3FB1] =	sst s4  }
0xd: {  	[smem:$0x3FB2] =	sst s5  }
0xe: {  	[smem:$0x3FB3] =	sst s6  }
0xf: {  	[smem:$0x3FB4] =	sst s7  }
0x10: {  	[smem:$0x3FB5] =	sst s8  }
0x11: {  	[smem:$0x3FB6] =	sst s9;
	s0 =	simm.s32 @!p0 $0x0  }
0x12: {  	s1 =	sld [smem:$0x3F9C];
	s0 =	simm.s32 @p0 $0x1  }
0x13: {  	[smem:$0x3FB7] =	sst s0;
	s0 =	simm.s32 @!p1 $0x0  }
0x14: {  	s2 =	sld [smem:$0x3F9B];
	s0 =	simm.s32 @p1 $0x1  }
0x15: {  	[smem:$0x3FB8] =	sst s0;
	s0 =	simm.s32 @!p2 $0x0  }
0x16: {  	s3 =	sld [smem:$0x3FDB];
	s0 =	simm.s32 @p2 $0x1  }
0x17: {  	s4 =	simm.s32 $0x1BF5;
	[smem:$0x3FBA] =	sst s0  }
0x18: {  	s0 =	sld [smem:$0x3F9D];
	_ =	swait.ge [sflag:s4], $0x0  }
0x19: {  	s7 =	sld [smem:$0x3F9E]  }
0x1a: {  	s8 =	sadd.s32 $0xFFFFE003, lr  }
0x1b: {  	s9 =	sadd.s32 $0xFFFFFEF7, lr;
	s5 =	simm.s32 $0xFFFFFFFF;
	p2 =	slt.u32 s8, $0xFFFFF086  }
0x1c: {  	p1 =	slt.u32 s9, $0xF7A;
	s5 =	simm.s32 @!p2 $0x0  }
0x1d: {  	s5 =	simm.s32 @p1 $0x1;
	p0 =	seq.s32 s7, s2  }
0x1e: {  	s7 =	smul.u32 @!p0 $0xF7A, s2;
	p2 =	seq.s32 @!p0 s5, $0x0  }
0x1f: {  	s9 =	smul.u32 $0xF7A, s1;
	s8 =	simm.s32 @!p0 $0x1BF5;
	p2 =	por !p2, p0  }
0x20: {  	[sflag:s8] =	ssyncset.s32 @!p0 $0xFFFFF086;
	s6 =	sadd.s32 @!p0 s3, s7;
	s7 =	simm.s32 @!p0 $0x108  }
0x21: {  	s3 =	sadd.s32 s3, s9;
	s6 =	sadd.s32 @!p0 $0x88, s6;
	s7 =	simm.s32 @p2 $0x1082  }
0x22: {  	[simem:s7], [sflag:s8] =	dma.local @!p0 [hbm:s6], $0xF7A  }
0x23: {  	s9 =	sor.u32 $0xD0000000, s2;
	s6 =	simm.s32 $0x108;
	_ =	swait.ge @!p0 [sflag:s8], $0x0  }
0x24: {  	s3 =	sadd.s32 $0x88, s3;
	s6 =	simm.s32 @!p1 $0x1082;
	[sflag:s4] =	ssyncset.s32 $0xFFFFF086  }
0x25: {  	[simem:s6], [sflag:s4] =	dma.local [hbm:s3], $0xF7A  }
0x26: {  	[smem:$0x3F9E] =	sst s1;
	(tag) =	ssettag s2;
	_ =	strace s9  }
0x27: {  	s1 =	sld [smem:$0x3FAE]  }
0x28: {  	s2 =	sld [smem:$0x3FAF]  }
0x29: {  	s4 =	sld [smem:$0x3FB1]  }
0x2a: {  	p0 =	seq.s32 s5, $0x0;
	s5 =	sld [smem:$0x3FB2]  }
0x2b: {  	s6 =	sld [smem:$0x3FB3]  }
0x2c: {  	s7 =	sld [smem:$0x3FB4]  }
0x2d: {  	s3 =	simm.s32 $0x108;
	s8 =	sld [smem:$0x3FB5]  }
0x2e: {  	s3 =	simm.s32 @!p0 $0x1082;
	s9 =	sld [smem:$0x3FB6]  }
0x2f: {  	lr =	sadd.s32 s0, s3;
	s0 =	sld [smem:$0x3FAD]  }
0x30: {  	s3 =	sld [smem:$0x3FB0]  }
0x31: {  	[smem:$0x3FB9] =	sst s10  }
0x32: {  	s10 =	sld [smem:$0x3FB7];
	_ =	sdelay $0x3  }
0x33: {  	p0 =	seq.s32 s10, $0x1;
	s10 =	sld [smem:$0x3FB9];
	_ =	sdelay $0x3  }
0x34: {  	[smem:$0x3FB9] =	sst s10  }
0x35: {  	s10 =	sld [smem:$0x3FB8];
	_ =	sdelay $0x3  }
0x36: {  	p1 =	seq.s32 s10, $0x1;
	s10 =	sld [smem:$0x3FB9];
	_ =	sdelay $0x3  }
0x37: {  	[smem:$0x3FB9] =	sst s10  }
0x38: {  	s10 =	sld [smem:$0x3FBA]  }
0x39: {  	_ = 	snop;
	(pc) =	sbr.ind lr, $3  }
0x3a: {  	_ = 	snop  }
0x3b: {  	_ = 	snop  }
0x3c: {  	p2 =	seq.s32 s10, $0x1;
	s10 =	sld [smem:$0x3FB9]  }
0x3d: {  	_ =	shalt  }
0x3e: {  	_ =	shalt  }
0x3f: {  	_ =	shalt  }
0x40: {  	_ =	shalt  }
0x41: {  	_ =	shalt  }
0x42: {  	_ =	shalt  }
0x43: {  	_ =	shalt  }
0x44: {  	_ =	shalt  }
0x45: {  	_ =	shalt  }
0x46: {  	_ =	shalt  }
0x47: {  	_ =	shalt  }
0x48: {  	_ =	shalt  }
0x49: {  	_ =	shalt  }
0x4a: {  	_ =	shalt  }
0x4b: {  	_ =	shalt  }
0x4c: {  	_ =	shalt  }
0x4d: {  	_ =	shalt  }
0x4e: {  	_ =	shalt  }
0x4f: {  	_ =	shalt  }
0x50: {  	_ =	shalt  }
0x51: {  	_ =	shalt  }
0x52: {  	_ =	shalt  }
0x53: {  	_ =	shalt  }
0x54: {  	_ =	shalt  }
0x55: {  	_ =	shalt  }
0x56: {  	_ =	shalt  }
0x57: {  	_ =	shalt  }
0x58: {  	_ =	shalt  }
0x59: {  	_ =	shalt  }
0x5a: {  	_ =	shalt  }
0x5b: {  	_ =	shalt  }
0x5c: {  	_ =	shalt  }
0x5d: {  	_ =	shalt  }
0x5e: {  	_ =	shalt  }
0x5f: {  	_ =	shalt  }
0x60: {  	_ =	shalt  }
0x61: {  	_ =	shalt  }
0x62: {  	_ =	shalt  }
0x63: {  	_ =	shalt  }
0x64: {  	_ =	shalt  }
0x65: {  	_ =	shalt  }
0x66: {  	_ =	shalt  }
0x67: {  	_ =	shalt  }
0x68: {  	_ =	shalt  }
0x69: {  	_ =	shalt  }
0x6a: {  	_ =	shalt  }
0x6b: {  	_ =	shalt  }
0x6c: {  	_ =	shalt  }
0x6d: {  	_ =	shalt  }
0x6e: {  	_ =	shalt  }
0x6f: {  	_ =	shalt  }
0x70: {  	_ =	shalt  }
0x71: {  	_ =	shalt  }
0x72: {  	_ =	shalt  }
0x73: {  	_ =	shalt  }
0x74: {  	_ =	shalt  }
0x75: {  	_ =	shalt  }
0x76: {  	_ =	shalt  }
0x77: {  	_ =	shalt  }
0x78: {  	_ =	shalt  }
0x79: {  	_ =	shalt  }
0x7a: {  	_ =	shalt  }
0x7b: {  	_ =	shalt  }
0x7c: {  	_ =	shalt  }
0x7d: {  	_ =	shalt  }
0x7e: {  	_ =	shalt  }
0x7f: {  	_ =	shalt  }
0x80: {  	_ =	shalt  }
0x81: {  	_ =	shalt  }
0x82: {  	_ =	shalt  }
0x83: {  	_ =	shalt  }
0x84: {  	_ =	shalt  }
0x85: {  	_ =	shalt  }
0x86: {  	_ =	shalt  }
0x87: {  	_ =	shalt  }
.Lfunc_end0:
.L_simem_size_0:
called_computation_lowered:
.L_overlay_start_0:
0x88: {  	s2 =	sld [smem:$0x3FD9]  }
0x89: {  	s3 =	sld [smem:$0x3FFE];
	_ =	sdelay $0x1  }
0x8a: {  	s1 =	srdreg.scid  }
0x8b: {  	s0 =	sand.u32 $0x1, s1  }
0x8c: {  	s18 =	sshll.u32 s0, $0xA;
	s2 =	sadd.s32 s3, s2  }
0x8d: {  	s2 =	sadd.s32 s2, s18  }
0x8e: {  	[smem:$0x3FC5] =	sst s2  }
0x8f: {  	_ = 	snop  }
0x90: {  	s2 =	sld [smem:$0x3FC9]  }
0x91: {  	s19 =	sld [smem:$0x3FC8]  }
0x92: {  	s4 =	sld [smem:$0x3FC7]  }
0x93: {  	s5 =	sld [smem:$0x3FD0];
	(tm) =	ssettm $0x1  }
0x94: {  	s6 =	sld [smem:$0x3FFB];
	_ =	sdelay $0x3  }
0x95: {  	_ =	strace s6  }
0x96: {  	s6 =	sld [smem:$0x3FFC];
	_ =	sdelay $0x3  }
0x97: {  	_ =	strace s6  }
0x98: {  	s6 =	sld [smem:$0x3FFD];
	_ =	sdelay $0x3  }
0x99: {  	_ =	strace s6  }
0x9a: {  	_ =	strace $0x8FFFFFFF  }
0x9b: {  	s20 =	sld [smem:$0x3FDB];
	_ =	sdelay $0x1  }
0x9c: {  	s7 =	simm.s32 $_scs_section_size  }
0x9d: {  	s8 =	simm.s32 $_size__tile_overlayer_lowered;
	s9 =	simm.s32 $_tile_overlayer_lowered  }
0x9e: {  	s23 =	simm.s32 $0x1BFF;
	s22 =	sshll.u32 s9, $0x1;
	s6 =	sadd.s32 s7, s20  }
0x9f: {  	s10 =	simm.s32 $0x0;
	s21 =	sshll.u32 s8, $0x1;
	s8 =	sadd.s32 s22, s6  }
0xa0: {  	[timem:s10], [sflag:s23] =	dma.local [hbm:s8], s21  }
0xa1: {  	_ =	swait.ge [sflag:s23], s21  }
0xa2: {  	s7 =	ssub.s32 $0x0, s21;
	[sflag:s23] =	ssyncset.done $0x0  }
0xa3: {  	[sflag:s23] =	ssyncadd.s32 s7;
	_ =	sdelay $0x1  }
0xa4: {  	s24 =	simm.s32 $0x1B8B  }
0xa5: {  	_ =	swait.ge [sflag:s24], $0x1  }
0xa6: {  	[sflag:s24] =	ssyncset.done $0x0  }
0xa7: {  	s25 =	simm.s32 $0x1B8E;
	[sflag:s24] =	ssyncadd.s32 $0xFFFFFFFF  }
0xa8: {  	s26 =	simm.s32 $execute0_lowered;
	[smem:$0x3FD2] =	sst s25  }
0xa9: {  	s7 =	sshll.u32 s26, $0x1;
	_ =	strace $0x80000046;
	[dreg:$0x1] =	wrdreg $0xFFFFFFFF  }
0xaa: {  	s28 =	simm.s32 $_size_execute0_lowered;
	s6 =	sadd.s32 s6, s7;
	[dreg:$0x0] =	wrdreg $0x0  }
0xab: {  	s7 =	sshll.u32 s28, $0x1;
	[dreg:$0x2] =	wrdreg s6  }
0xac: {  	[dreg:$0x3] =	wrdreg s7  }
0xad: {  	[dreg:$0x4] =	wrdreg $0xC0  }
0xae: {  	_ =	task [dreg:s10], $0x5FFFF  }
0xaf: {  	[dreg:$0x1] =	wrdreg $0xFFFFFFFF  }
0xb0: {  	[dreg:$0x0] =	wrdreg $0x60  }
0xb1: {  	[dreg:$0x2] =	wrdreg s2  }
0xb2: {  	[dreg:$0x3] =	wrdreg s19  }
0xb3: {  	[dreg:$0x4] =	wrdreg s4  }
0xb4: {  	[dreg:$0x5] =	wrdreg s5  }
0xb5: {  	[dreg:$0x6] =	wrdreg $0x9  }
0xb6: {  	_ =	task.clear_ibuf [dreg:s10], $0x7FFFF;
	_ =	strace $0x90000046  }
0xb7: {  	s29 =	simm.s32 $0x9;
	_ =	strace $0x80000048  }
0xb8: {  	_ =	swait.ge [sflag:s29], $0x1  }
0xb9: {  	[sflag:s29] =	ssyncadd.s32 $0xFFFFFFFF  }
0xba: {  	_ =	strace $0x90000048  }
0xbb: {  	_ =	sfence  }
0xbc: {  	s30 =	sld [smem:$0x0];
	_ =	sdelay $0x2  }
0xbd: {  	s31 =	sshll.u32 s1, $0xD;
	s1 =	sshrl.u32 s1, $0x2  }
0xbe: {  	s3 =	sand.u32 $0x4000, s31;
	s1 =	sadd.s32 s1, s30  }
0xbf: {  	s0 =	sor.u32 s3, s0;
	s1 =	sshll.u32 s1, $0x11  }
0xc0: {  	s0 =	sor.u32 s1, s0  }
0xc1: {  	s0 =	sadd.s32 $0x8F2B, s0  }
0xc2: {  	[sflag:s0] =	ssyncadd.remote.s32 $0x1  }
0xc3: {  	_ =	sfence.sel $0xFFFF  }
0xc4: {  	[dreg:$0x0] =	wrdreg $0xFFFFFFFF;
	(pc) =	sbr.abs _section_cstart, $3  }
0xc5: {  	[dreg:$0x1] =	wrdreg $0xFFFFFFFF  }
0xc6: {  	_ =	task.clear_ibuf [dreg:s10], $0x2FFFF;
	_ =	strace $0x9FFFFFFF  }
0xc7: {  	(tm) =	ssettm $0x7FFFFFFF  }
tec
execute0_lowered:
.L_overlay_start_1:
0x0: {  	(tag) =	ssettag $0x1  }
0x1: {  	s0 =	rddreg [dreg:$0x0]  }
0x2: {  	s1 =	rddreg [dreg:$0x1];
	s2 =	srdreg.scid  }
0x3: {  	s5 =	rddreg [dreg:$0x2];
	s3 =	stileid.u32  }
0x4: {  	s6 =	rddreg [dreg:$0x3];
	s31 =	simm.s32 $0x9;
	s30 =	simm.s32 $0xA  }
0x5: {  	s9 =	simm.s32 $0xD;
	s10 =	simm.s32 $0x5;
	s2 =	sand.u32 $0x1, s2  }
0x6: {  	s7 =	sshll.u32 s3, $0x8;
	s3 =	simm.s32 $0x0;
	s4 =	sshll.u32 s2, $0xC  }
0x7: {  	[smem:$0x7FF] =	sst s3;
	s2 =	ssub.s32 $0x2, s2;
	s7 =	sor.u32 s7, s4  }
0x8: {  	_ =	strace $0x80000047;
	s8 =	sshrl.u32 s2, $0x1;
	s16 =	sshll.u32 s7, $0x4  }
0x9: {  	s4 =	sshrl.u32 s7, $0x1;
	s14 =	ssub.s32 s2, s8;
	s2 =	sadd.s32 s5, s16  }
0xa: {  	s4 =	sadd.s32 s0, s4;
	s0 =	smax.u32 s14, $0x1;
	[dreg:$0x8] =	wrdreg s2  }
0xb: {  	s11 =	simm.s32 $0xB;
	s15 =	sadd.s32 $0x10, s4;
	[dreg:$0x10] =	wrdreg s0  }
0xc: {  	s12 =	simm.s32 $0x2;
	s17 =	sadd.s32 $0x20, s4;
	[dreg:$0x5] =	wrdreg s15  }
0xd: {  	s8 =	sadd.s32 s6, s16;
	s18 =	sadd.s32 $0x30, s4;
	[dreg:$0x6] =	wrdreg s17  }
0xe: {  	s13 =	simm.s32 $0x3;
	s19 =	sadd.s32 $0x800, s8;
	[dreg:$0x7] =	wrdreg s18  }
0xf: {  	s28 =	simm.s32 $0x280;
	s20 =	sadd.s32 $0x20000, s8;
	[dreg:$0x9] =	wrdreg s19  }
0x10: {  	s7 =	simm.s32 $0x1;
	s21 =	sadd.s32 $0x20800, s8;
	[dreg:$0xa] =	wrdreg s20  }
0x11: {  	s5 =	simm.s32 $0x8400;
	s22 =	sadd.s32 $0x40000, s8;
	[dreg:$0xb] =	wrdreg s21  }
0x12: {  	s6 =	simm.s32 $0xC400;
	s23 =	sadd.s32 $0x40800, s8;
	[dreg:$0xc] =	wrdreg s22  }
0x13: {  	s14 =	simm.s32 $0x7;
	s24 =	sadd.s32 $0x60000, s8;
	[dreg:$0xd] =	wrdreg s23  }
0x14: {  	s16 =	simm.s32 $0x0;
	s25 =	sadd.s32 $0x60800, s8;
	[dreg:$0xe] =	wrdreg s24  }
0x15: {  	s26 =	sadd.s32 $0x40, s4;
	s29 =	sadd.s32 $0x50, s4;
	[dreg:$0xf] =	wrdreg s25  }
0x16: {  	s2 =	simm.s32 $0x400;
	s0 =	simm.s32 $0x4400;
	[dreg:$0x11] =	wrdreg s26  }
0x17: {  	[dreg:$0x12] =	wrdreg s29;
	s20 =	sadd.s32 $0x60, s4;
	s21 =	sadd.s32 $0x70, s4  }
0x18: {  	s23 =	simm.s32 $0x80;
	s22 =	simm.s32 $0x6;
	s24 =	simm.s32 $0xC  }
0x19: {  	s15 =	simm.s32 $0x4;
	s25 =	simm.s32 $0x8;
	s19 =	simm.s32 $0x10400  }
.LBB2_1:
0x1a: {  	[tilespmem:s3], [sflag:$0x9] =	stream.linear.gather [hbm4b:s4+s3], $0x80, $0x38;
	[tilespmem:$0x18400] =	vst v63  }
0x1b: {  	s26 =	simm.s32 $0x200;
	s17 =	rddreg [dreg:$0x11]  }
0x1c: {  	[tilespmem:s26], [sflag:$0x9] =	stream.linear.gather [hbm4b:s17+s3], $0x80, $0x38;
	[tilespmem:$0x18400] =	vst v63  }
0x1d: {  	s18 =	rddreg [dreg:$0x5]  }
0x1e: {  	[tilespmem:s23], [sflag:$0xA] =	stream.linear.gather [hbm4b:s18+s3], $0x80, $0x38;
	[tilespmem:$0x18400] =	vst v63  }
0x1f: {  	s18 =	rddreg [dreg:$0x12]  }
0x20: {  	[tilespmem:s28], [sflag:$0xA] =	stream.linear.gather [hbm4b:s18+s3], $0x80, $0x38;
	[tilespmem:$0x18400] =	vst v63  }
0x21: {  	s17 =	rddreg [dreg:$0x6];
	s18 =	simm.s32 $0x100  }
0x22: {  	[tilespmem:s18], [sflag:$0xB] =	stream.linear.gather [hbm4b:s17+s3], $0x80, $0x38;
	[tilespmem:$0x18400] =	vst v63  }
0x23: {  	s18 =	simm.s32 $0x300  }
0x24: {  	[tilespmem:s18], [sflag:$0xB] =	stream.linear.gather [hbm4b:s20+s3], $0x80, $0x38;
	[tilespmem:$0x18400] =	vst v63  }
0x25: {  	s29 =	simm.s32 $0x180;
	s17 =	rddreg [dreg:$0x7]  }
0x26: {  	[tilespmem:s29], [sflag:$0xC] =	stream.linear.gather [hbm4b:s17+s3], $0x80, $0x38;
	[tilespmem:$0x18400] =	vst v63  }
0x27: {  	s29 =	simm.s32 $0x380  }
0x28: {  	[tilespmem:s29], [sflag:$0xC] =	stream.linear.gather [hbm4b:s21+s3], $0x80, $0x38;
	[tilespmem:$0x18400] =	vst v63  }
0x29: {  	s17 =	rddreg [dreg:$0x8]  }
0x2a: {  	[tilespmem:s19], [sflag:$0xD] =	stream.linear.gather [hbm4b:s17+s3], $0x8000, $0x38;
	[tilespmem:$0x18400] =	vst v63  }
0x2b: {  	_ =	swait.ge [sflag:s31], $0x100  }
0x2c: {  	[sflag:s31] =	ssyncset.done $0x0  }
0x2d: {  	[sflag:s31] =	ssyncadd.s32 $0xFFFFFF00  }
0x2e: {  	[tilespmem:s2], [sflag:$0x1] =	stream.indirect.gather [hbm4b:s1+s23], $0x80, s3, s23, $0xb8;
	[tilespmem:$0x18400] =	vst v63  }
0x2f: {  	_ = 	snop  }
0x30: {  	[tilespmem:s0], [sflag:$0x2] =	stream.indirect.gather [hbm4b:s1+s23], $0x80, s26, s23, $0xb8;
	[tilespmem:$0x18400] =	vst v63  }
0x31: {  	_ =	swait.ge [sflag:s30], $0x100  }
0x32: {  	[sflag:s30] =	ssyncset.done $0x0  }
0x33: {  	[sflag:s30] =	ssyncadd.s32 $0xFFFFFF00  }
0x34: {  	[tilespmem:s5], [sflag:$0x3] =	stream.indirect.gather [hbm4b:s1+s23], $0x80, s23, s23, $0xb8;
	[tilespmem:$0x18400] =	vst v63  }
0x35: {  	_ = 	snop  }
0x36: {  	[tilespmem:s6], [sflag:$0x4] =	stream.indirect.gather [hbm4b:s1+s23], $0x80, s28, s23, $0xb8;
	[tilespmem:$0x18400] =	vst v63  }
0x37: {  	_ =	swait.ge [sflag:s7], $0x4000  }
0x38: {  	[sflag:s7] =	ssyncset.done $0x0  }
0x39: {  	[sflag:s7] =	ssyncadd.s32 $0xFFFFC000  }
0x3a: {  	_ =	swait.ge [sflag:s9], $0x8000  }
0x3b: {  	[sflag:s9] =	ssyncset.done $0x0  }
0x3c: {  	s17 =	simm.s32 $0x200;
	s26 =	simm.s32 $0x0;
	[sflag:s9] =	ssyncadd.s32 $0xFFFF8000  }
.LBB2_2:
0x3d: {  	p0 =	sne.s32 s17, $0xFE00;
	v0 =	vld [tilespmem:s26+$0x10470]  }
0x3e: {  	v1 =	vld [tilespmem:s26+$0x10400]  }
0x3f: {  	v2 =	vld [tilespmem:s26+$0x10410]  }
0x40: {  	v3 =	vld [tilespmem:s26+$0x10420]  }
0x41: {  	v4 =	vld [tilespmem:s26+$0x10430]  }
0x42: {  	[tilespmem:s26+$0x470] =	vst.add.f32.msk $0xffff, v0  }
0x43: {  	v0 =	vld [tilespmem:s26+$0x10440]  }
0x44: {  	v5 =	vld [tilespmem:s26+$0x10450]  }
0x45: {  	v6 =	vld [tilespmem:s26+$0x10460]  }
0x46: {  	[tilespmem:s26+$0x400] =	vst.add.f32.msk $0xffff, v1  }
0x47: {  	[tilespmem:s26+$0x410] =	vst.add.f32.msk $0xffff, v2  }
.Ltmp0:
0x48: {  	[tilespmem:s26+$0x420] =	vst.add.f32.msk $0xffff, v3;
	(pc) =	sbr.rel @p0 .LBB2_2-.Ltmp0, $4  }
0x49: {  	[tilespmem:s26+$0x430] =	vst.add.f32.msk $0xffff, v4  }
0x4a: {  	[tilespmem:s26+$0x440] =	vst.add.f32.msk $0xffff, v0  }
0x4b: {  	[tilespmem:s26+$0x450] =	vst.add.f32.msk $0xffff, v5  }
0x4c: {  	[tilespmem:s26+$0x460] =	vst.add.f32.msk $0xffff, v6;
	s26 =	sshra.s32 s17, $0x2;
	s17 =	sadd.s32 $0x200, s17  }
0x4d: {  	v0 =	vld [tilespmem:s26+$0x10470]  }
0x4e: {  	v1 =	vld [tilespmem:s26+$0x10400]  }
0x4f: {  	v2 =	vld [tilespmem:s26+$0x10410]  }
0x50: {  	v3 =	vld [tilespmem:s26+$0x10420]  }
0x51: {  	v4 =	vld [tilespmem:s26+$0x10430]  }
0x52: {  	v63 =	vld [tilespmem:s26+$0x10440]  }
0x53: {  	v5 =	vld [tilespmem:s26+$0x10450]  }
0x54: {  	v6 =	vld [tilespmem:s26+$0x10460]  }
0x55: {  	[tilespmem:s26+$0x470] =	vst.add.f32.msk $0xffff, v0  }
0x56: {  	[tilespmem:s26+$0x400] =	vst.add.f32.msk $0xffff, v1  }
0x57: {  	[tilespmem:s26+$0x410] =	vst.add.f32.msk $0xffff, v2  }
0x58: {  	[tilespmem:s26+$0x420] =	vst.add.f32.msk $0xffff, v3  }
0x59: {  	[tilespmem:s26+$0x430] =	vst.add.f32.msk $0xffff, v4  }
0x5a: {  	[tilespmem:s26+$0x440] =	vst.add.f32.msk $0xffff, v63  }
0x5b: {  	[tilespmem:s26+$0x450] =	vst.add.f32.msk $0xffff, v5  }
0x5c: {  	s17 =	simm.s32 $0x0;
	[tilespmem:s26+$0x460] =	vst.add.f32.msk $0xffff, v6  }
0x5d: {  	[hbm4b:s8+s17] =	stream.linear.scatter [tilespmem:s2], [sflag:$0x5], $0x4000, $0x38;
	[tilespmem:$0x18400] =	vst v63  }
0x5e: {  	_ =	swait.ge [sflag:s10], $0x4000  }
0x5f: {  	[sflag:s10] =	ssyncset.done $0x0  }
0x60: {  	[sflag:s10] =	ssyncadd.s32 $0xFFFFC000  }
0x61: {  	_ =	swait.ge [sflag:s11], $0x100  }
0x62: {  	[sflag:s11] =	ssyncset.done $0x0  }
0x63: {  	s26 =	simm.s32 $0x100;
	[sflag:s11] =	ssyncadd.s32 $0xFFFFFF00  }
0x64: {  	[tilespmem:s2], [sflag:$0x1] =	stream.indirect.gather [hbm4b:s1+s23], $0x80, s26, s23, $0xb8;
	[tilespmem:$0x18400] =	vst v63  }
0x65: {  	_ =	swait.ge [sflag:s12], $0x4000  }
0x66: {  	[sflag:s12] =	ssyncset.done $0x0  }
0x67: {  	s17 =	simm.s32 $0x200;
	s26 =	simm.s32 $0x0;
	[sflag:s12] =	ssyncadd.s32 $0xFFFFC000  }
.LBB2_4:
0x68: {  	p0 =	sne.s32 s17, $0xFE00;
	v0 =	vld [tilespmem:s26+$0x14470]  }
0x69: {  	v1 =	vld [tilespmem:s26+$0x14400]  }
0x6a: {  	v2 =	vld [tilespmem:s26+$0x14410]  }
0x6b: {  	v3 =	vld [tilespmem:s26+$0x14420]  }
0x6c: {  	v4 =	vld [tilespmem:s26+$0x14430]  }
0x6d: {  	[tilespmem:s26+$0x4470] =	vst.add.f32.msk $0xffff, v0  }
0x6e: {  	v0 =	vld [tilespmem:s26+$0x14440]  }
0x6f: {  	v5 =	vld [tilespmem:s26+$0x14450]  }
0x70: {  	v6 =	vld [tilespmem:s26+$0x14460]  }
0x71: {  	[tilespmem:s26+$0x4400] =	vst.add.f32.msk $0xffff, v1  }
0x72: {  	[tilespmem:s26+$0x4410] =	vst.add.f32.msk $0xffff, v2  }
.Ltmp1:
0x73: {  	[tilespmem:s26+$0x4420] =	vst.add.f32.msk $0xffff, v3;
	(pc) =	sbr.rel @p0 .LBB2_4-.Ltmp1, $4  }
0x74: {  	[tilespmem:s26+$0x4430] =	vst.add.f32.msk $0xffff, v4  }
0x75: {  	[tilespmem:s26+$0x4440] =	vst.add.f32.msk $0xffff, v0  }
0x76: {  	[tilespmem:s26+$0x4450] =	vst.add.f32.msk $0xffff, v5  }
0x77: {  	[tilespmem:s26+$0x4460] =	vst.add.f32.msk $0xffff, v6;
	s26 =	sshra.s32 s17, $0x2;
	s17 =	sadd.s32 $0x200, s17  }
0x78: {  	v0 =	vld [tilespmem:s26+$0x14470]  }
0x79: {  	v1 =	vld [tilespmem:s26+$0x14400]  }
0x7a: {  	v2 =	vld [tilespmem:s26+$0x14410]  }
0x7b: {  	v3 =	vld [tilespmem:s26+$0x14420]  }
0x7c: {  	v4 =	vld [tilespmem:s26+$0x14430]  }
0x7d: {  	v63 =	vld [tilespmem:s26+$0x14440]  }
0x7e: {  	v5 =	vld [tilespmem:s26+$0x14450]  }
0x7f: {  	v6 =	vld [tilespmem:s26+$0x14460]  }
0x80: {  	[tilespmem:s26+$0x4470] =	vst.add.f32.msk $0xffff, v0  }
0x81: {  	[tilespmem:s26+$0x4400] =	vst.add.f32.msk $0xffff, v1  }
0x82: {  	[tilespmem:s26+$0x4410] =	vst.add.f32.msk $0xffff, v2  }
0x83: {  	[tilespmem:s26+$0x4420] =	vst.add.f32.msk $0xffff, v3  }
0x84: {  	[tilespmem:s26+$0x4430] =	vst.add.f32.msk $0xffff, v4  }
0x85: {  	[tilespmem:s26+$0x4440] =	vst.add.f32.msk $0xffff, v63  }
0x86: {  	[tilespmem:s26+$0x4450] =	vst.add.f32.msk $0xffff, v5  }
0x87: {  	s17 =	simm.s32 $0x0;
	[tilespmem:s26+$0x4460] =	vst.add.f32.msk $0xffff, v6;
	s26 =	rddreg [dreg:$0x9]  }
0x88: {  	[hbm4b:s26+s17] =	stream.linear.scatter [tilespmem:s0], [sflag:$0x6], $0x4000, $0x38;
	[tilespmem:$0x18400] =	vst v63  }
0x89: {  	_ =	swait.ge [sflag:s22], $0x4000  }
0x8a: {  	[sflag:s22] =	ssyncset.done $0x0  }
0x8b: {  	[sflag:s22] =	ssyncadd.s32 $0xFFFFC000  }
0x8c: {  	[tilespmem:s0], [sflag:$0x2] =	stream.indirect.gather [hbm4b:s1+s23], $0x80, s18, s23, $0xb8;
	[tilespmem:$0x18400] =	vst v63  }
0x8d: {  	_ =	swait.ge [sflag:s13], $0x4000  }
0x8e: {  	[sflag:s13] =	ssyncset.done $0x0  }
0x8f: {  	s26 =	simm.s32 $0x0;
	s17 =	simm.s32 $0x200;
	[sflag:s13] =	ssyncadd.s32 $0xFFFFC000  }
.LBB2_6:
0x90: {  	p0 =	sne.s32 s17, $0xFE00;
	v0 =	vld [tilespmem:s26+$0x10470]  }
0x91: {  	v1 =	vld [tilespmem:s26+$0x10400]  }
0x92: {  	v2 =	vld [tilespmem:s26+$0x10410]  }
0x93: {  	v3 =	vld [tilespmem:s26+$0x10420]  }
0x94: {  	v4 =	vld [tilespmem:s26+$0x10430]  }
0x95: {  	[tilespmem:s26+$0x8470] =	vst.add.f32.msk $0xffff, v0  }
0x96: {  	v0 =	vld [tilespmem:s26+$0x10440]  }
0x97: {  	v5 =	vld [tilespmem:s26+$0x10450]  }
0x98: {  	v6 =	vld [tilespmem:s26+$0x10460]  }
0x99: {  	[tilespmem:s26+$0x8400] =	vst.add.f32.msk $0xffff, v1  }
0x9a: {  	[tilespmem:s26+$0x8410] =	vst.add.f32.msk $0xffff, v2  }
.Ltmp2:
0x9b: {  	[tilespmem:s26+$0x8420] =	vst.add.f32.msk $0xffff, v3;
	(pc) =	sbr.rel @p0 .LBB2_6-.Ltmp2, $4  }
0x9c: {  	[tilespmem:s26+$0x8430] =	vst.add.f32.msk $0xffff, v4  }
0x9d: {  	[tilespmem:s26+$0x8440] =	vst.add.f32.msk $0xffff, v0  }
0x9e: {  	[tilespmem:s26+$0x8450] =	vst.add.f32.msk $0xffff, v5  }
0x9f: {  	[tilespmem:s26+$0x8460] =	vst.add.f32.msk $0xffff, v6;
	s26 =	sshra.s32 s17, $0x2;
	s17 =	sadd.s32 $0x200, s17  }
0xa0: {  	v0 =	vld [tilespmem:s26+$0x10470]  }
0xa1: {  	v1 =	vld [tilespmem:s26+$0x10400]  }
0xa2: {  	v2 =	vld [tilespmem:s26+$0x10410]  }
0xa3: {  	v3 =	vld [tilespmem:s26+$0x10420]  }
0xa4: {  	v4 =	vld [tilespmem:s26+$0x10430]  }
0xa5: {  	v63 =	vld [tilespmem:s26+$0x10440]  }
0xa6: {  	v5 =	vld [tilespmem:s26+$0x10450]  }
0xa7: {  	v6 =	vld [tilespmem:s26+$0x10460]  }
0xa8: {  	[tilespmem:s26+$0x8470] =	vst.add.f32.msk $0xffff, v0  }
0xa9: {  	[tilespmem:s26+$0x8400] =	vst.add.f32.msk $0xffff, v1  }
0xaa: {  	[tilespmem:s26+$0x8410] =	vst.add.f32.msk $0xffff, v2  }
0xab: {  	[tilespmem:s26+$0x8420] =	vst.add.f32.msk $0xffff, v3  }
0xac: {  	[tilespmem:s26+$0x8430] =	vst.add.f32.msk $0xffff, v4  }
0xad: {  	[tilespmem:s26+$0x8440] =	vst.add.f32.msk $0xffff, v63  }
0xae: {  	[tilespmem:s26+$0x8450] =	vst.add.f32.msk $0xffff, v5  }
0xaf: {  	s17 =	simm.s32 $0x0;
	s18 =	rddreg [dreg:$0xa];
	[tilespmem:s26+$0x8460] =	vst.add.f32.msk $0xffff, v6  }
0xb0: {  	[hbm4b:s18+s17] =	stream.linear.scatter [tilespmem:s5], [sflag:$0x7], $0x4000, $0x38;
	[tilespmem:$0x18400] =	vst v63  }
0xb1: {  	_ =	swait.ge [sflag:s14], $0x4000  }
0xb2: {  	[sflag:s14] =	ssyncset.done $0x0  }
0xb3: {  	[sflag:s14] =	ssyncadd.s32 $0xFFFFC000  }
0xb4: {  	_ =	swait.ge [sflag:s24], $0x100  }
0xb5: {  	[sflag:s24] =	ssyncset.done $0x0  }
0xb6: {  	s26 =	simm.s32 $0x180;
	[sflag:s24] =	ssyncadd.s32 $0xFFFFFF00  }
0xb7: {  	[tilespmem:s5], [sflag:$0x3] =	stream.indirect.gather [hbm4b:s1+s23], $0x80, s26, s23, $0xb8;
	[tilespmem:$0x18400] =	vst v63  }
0xb8: {  	_ =	swait.ge [sflag:s15], $0x4000  }
0xb9: {  	[sflag:s15] =	ssyncset.done $0x0  }
0xba: {  	s17 =	simm.s32 $0x200;
	s26 =	simm.s32 $0x0;
	[sflag:s15] =	ssyncadd.s32 $0xFFFFC000  }
.LBB2_8:
0xbb: {  	p0 =	sne.s32 s17, $0xFE00;
	v0 =	vld [tilespmem:s26+$0x14470]  }
0xbc: {  	v1 =	vld [tilespmem:s26+$0x14400]  }
0xbd: {  	v2 =	vld [tilespmem:s26+$0x14410]  }
0xbe: {  	v3 =	vld [tilespmem:s26+$0x14420]  }
0xbf: {  	v4 =	vld [tilespmem:s26+$0x14430]  }
0xc0: {  	[tilespmem:s26+$0xC470] =	vst.add.f32.msk $0xffff, v0  }
0xc1: {  	v0 =	vld [tilespmem:s26+$0x14440]  }
0xc2: {  	v5 =	vld [tilespmem:s26+$0x14450]  }
0xc3: {  	v6 =	vld [tilespmem:s26+$0x14460]  }
0xc4: {  	[tilespmem:s26+$0xC400] =	vst.add.f32.msk $0xffff, v1  }
0xc5: {  	[tilespmem:s26+$0xC410] =	vst.add.f32.msk $0xffff, v2  }
.Ltmp3:
0xc6: {  	[tilespmem:s26+$0xC420] =	vst.add.f32.msk $0xffff, v3;
	(pc) =	sbr.rel @p0 .LBB2_8-.Ltmp3, $4  }
0xc7: {  	[tilespmem:s26+$0xC430] =	vst.add.f32.msk $0xffff, v4  }
0xc8: {  	[tilespmem:s26+$0xC440] =	vst.add.f32.msk $0xffff, v0  }
0xc9: {  	[tilespmem:s26+$0xC450] =	vst.add.f32.msk $0xffff, v5  }
0xca: {  	[tilespmem:s26+$0xC460] =	vst.add.f32.msk $0xffff, v6;
	s26 =	sshra.s32 s17, $0x2;
	s17 =	sadd.s32 $0x200, s17  }
0xcb: {  	v0 =	vld [tilespmem:s26+$0x14470]  }
0xcc: {  	v1 =	vld [tilespmem:s26+$0x14400]  }
0xcd: {  	v2 =	vld [tilespmem:s26+$0x14410]  }
0xce: {  	v3 =	vld [tilespmem:s26+$0x14420]  }
0xcf: {  	v4 =	vld [tilespmem:s26+$0x14430]  }
0xd0: {  	v63 =	vld [tilespmem:s26+$0x14440]  }
0xd1: {  	v5 =	vld [tilespmem:s26+$0x14450]  }
0xd2: {  	v6 =	vld [tilespmem:s26+$0x14460]  }
0xd3: {  	[tilespmem:s26+$0xC470] =	vst.add.f32.msk $0xffff, v0  }
0xd4: {  	[tilespmem:s26+$0xC400] =	vst.add.f32.msk $0xffff, v1  }
0xd5: {  	[tilespmem:s26+$0xC410] =	vst.add.f32.msk $0xffff, v2  }
0xd6: {  	[tilespmem:s26+$0xC420] =	vst.add.f32.msk $0xffff, v3  }
0xd7: {  	[tilespmem:s26+$0xC430] =	vst.add.f32.msk $0xffff, v4  }
0xd8: {  	[tilespmem:s26+$0xC440] =	vst.add.f32.msk $0xffff, v63  }
0xd9: {  	[tilespmem:s26+$0xC450] =	vst.add.f32.msk $0xffff, v5  }
0xda: {  	s17 =	simm.s32 $0x0;
	s18 =	rddreg [dreg:$0xb];
	[tilespmem:s26+$0xC460] =	vst.add.f32.msk $0xffff, v6  }
0xdb: {  	[hbm4b:s18+s17] =	stream.linear.scatter [tilespmem:s6], [sflag:$0x8], $0x4000, $0x38;
	[tilespmem:$0x18400] =	vst v63  }
0xdc: {  	_ =	swait.ge [sflag:s25], $0x4000  }
0xdd: {  	[sflag:s25] =	ssyncset.done $0x0  }
0xde: {  	[sflag:s25] =	ssyncadd.s32 $0xFFFFC000  }
0xdf: {  	[tilespmem:s6], [sflag:$0x4] =	stream.indirect.gather [hbm4b:s1+s23], $0x80, s29, s23, $0xb8;
	[tilespmem:$0x18400] =	vst v63  }
0xe0: {  	_ =	swait.ge [sflag:s7], $0x4000  }
0xe1: {  	[sflag:s7] =	ssyncset.done $0x0  }
0xe2: {  	s26 =	simm.s32 $0x0;
	s17 =	simm.s32 $0x200;
	[sflag:s7] =	ssyncadd.s32 $0xFFFFC000  }
.LBB2_10:
0xe3: {  	p0 =	sne.s32 s17, $0xFE00;
	v0 =	vld [tilespmem:s26+$0x10470]  }
0xe4: {  	v1 =	vld [tilespmem:s26+$0x10400]  }
0xe5: {  	v2 =	vld [tilespmem:s26+$0x10410]  }
0xe6: {  	v3 =	vld [tilespmem:s26+$0x10420]  }
0xe7: {  	v4 =	vld [tilespmem:s26+$0x10430]  }
0xe8: {  	[tilespmem:s26+$0x470] =	vst.add.f32.msk $0xffff, v0  }
0xe9: {  	v0 =	vld [tilespmem:s26+$0x10440]  }
0xea: {  	v5 =	vld [tilespmem:s26+$0x10450]  }
0xeb: {  	v6 =	vld [tilespmem:s26+$0x10460]  }
0xec: {  	[tilespmem:s26+$0x400] =	vst.add.f32.msk $0xffff, v1  }
0xed: {  	[tilespmem:s26+$0x410] =	vst.add.f32.msk $0xffff, v2  }
.Ltmp4:
0xee: {  	[tilespmem:s26+$0x420] =	vst.add.f32.msk $0xffff, v3;
	(pc) =	sbr.rel @p0 .LBB2_10-.Ltmp4, $4  }
0xef: {  	[tilespmem:s26+$0x430] =	vst.add.f32.msk $0xffff, v4  }
0xf0: {  	[tilespmem:s26+$0x440] =	vst.add.f32.msk $0xffff, v0  }
0xf1: {  	[tilespmem:s26+$0x450] =	vst.add.f32.msk $0xffff, v5  }
0xf2: {  	[tilespmem:s26+$0x460] =	vst.add.f32.msk $0xffff, v6;
	s26 =	sshra.s32 s17, $0x2;
	s17 =	sadd.s32 $0x200, s17  }
0xf3: {  	v0 =	vld [tilespmem:s26+$0x10470]  }
0xf4: {  	v1 =	vld [tilespmem:s26+$0x10400]  }
0xf5: {  	v2 =	vld [tilespmem:s26+$0x10410]  }
0xf6: {  	v3 =	vld [tilespmem:s26+$0x10420]  }
0xf7: {  	v4 =	vld [tilespmem:s26+$0x10430]  }
0xf8: {  	v63 =	vld [tilespmem:s26+$0x10440]  }
0xf9: {  	v5 =	vld [tilespmem:s26+$0x10450]  }
0xfa: {  	v6 =	vld [tilespmem:s26+$0x10460]  }
0xfb: {  	[tilespmem:s26+$0x470] =	vst.add.f32.msk $0xffff, v0  }
0xfc: {  	[tilespmem:s26+$0x400] =	vst.add.f32.msk $0xffff, v1  }
0xfd: {  	[tilespmem:s26+$0x410] =	vst.add.f32.msk $0xffff, v2  }
0xfe: {  	[tilespmem:s26+$0x420] =	vst.add.f32.msk $0xffff, v3  }
0xff: {  	[tilespmem:s26+$0x430] =	vst.add.f32.msk $0xffff, v4  }
0x100: {  	[tilespmem:s26+$0x440] =	vst.add.f32.msk $0xffff, v63  }
0x101: {  	[tilespmem:s26+$0x450] =	vst.add.f32.msk $0xffff, v5  }
0x102: {  	s17 =	simm.s32 $0x0;
	s29 =	rddreg [dreg:$0xc];
	[tilespmem:s26+$0x460] =	vst.add.f32.msk $0xffff, v6  }
0x103: {  	[hbm4b:s29+s17] =	stream.linear.scatter [tilespmem:s2], [sflag:$0x5], $0x4000, $0x38;
	[tilespmem:$0x18400] =	vst v63  }
0x104: {  	_ =	swait.ge [sflag:s12], $0x4000  }
0x105: {  	[sflag:s12] =	ssyncset.done $0x0  }
0x106: {  	s26 =	simm.s32 $0x0;
	s17 =	simm.s32 $0x200;
	[sflag:s12] =	ssyncadd.s32 $0xFFFFC000  }
.LBB2_12:
0x107: {  	p0 =	sne.s32 s17, $0xFE00;
	v0 =	vld [tilespmem:s26+$0x14470]  }
0x108: {  	v1 =	vld [tilespmem:s26+$0x14400]  }
0x109: {  	v2 =	vld [tilespmem:s26+$0x14410]  }
0x10a: {  	v3 =	vld [tilespmem:s26+$0x14420]  }
0x10b: {  	v4 =	vld [tilespmem:s26+$0x14430]  }
0x10c: {  	[tilespmem:s26+$0x4470] =	vst.add.f32.msk $0xffff, v0  }
0x10d: {  	v0 =	vld [tilespmem:s26+$0x14440]  }
0x10e: {  	v5 =	vld [tilespmem:s26+$0x14450]  }
0x10f: {  	v6 =	vld [tilespmem:s26+$0x14460]  }
0x110: {  	[tilespmem:s26+$0x4400] =	vst.add.f32.msk $0xffff, v1  }
0x111: {  	[tilespmem:s26+$0x4410] =	vst.add.f32.msk $0xffff, v2  }
.Ltmp5:
0x112: {  	[tilespmem:s26+$0x4420] =	vst.add.f32.msk $0xffff, v3;
	(pc) =	sbr.rel @p0 .LBB2_12-.Ltmp5, $4  }
0x113: {  	[tilespmem:s26+$0x4430] =	vst.add.f32.msk $0xffff, v4  }
0x114: {  	[tilespmem:s26+$0x4440] =	vst.add.f32.msk $0xffff, v0  }
0x115: {  	[tilespmem:s26+$0x4450] =	vst.add.f32.msk $0xffff, v5  }
0x116: {  	[tilespmem:s26+$0x4460] =	vst.add.f32.msk $0xffff, v6;
	s26 =	sshra.s32 s17, $0x2;
	s17 =	sadd.s32 $0x200, s17  }
0x117: {  	v0 =	vld [tilespmem:s26+$0x14470]  }
0x118: {  	v1 =	vld [tilespmem:s26+$0x14400]  }
0x119: {  	v2 =	vld [tilespmem:s26+$0x14410]  }
0x11a: {  	v3 =	vld [tilespmem:s26+$0x14420]  }
0x11b: {  	v4 =	vld [tilespmem:s26+$0x14430]  }
0x11c: {  	v63 =	vld [tilespmem:s26+$0x14440]  }
0x11d: {  	v5 =	vld [tilespmem:s26+$0x14450]  }
0x11e: {  	v6 =	vld [tilespmem:s26+$0x14460]  }
0x11f: {  	[tilespmem:s26+$0x4470] =	vst.add.f32.msk $0xffff, v0  }
0x120: {  	[tilespmem:s26+$0x4400] =	vst.add.f32.msk $0xffff, v1  }
0x121: {  	[tilespmem:s26+$0x4410] =	vst.add.f32.msk $0xffff, v2  }
0x122: {  	[tilespmem:s26+$0x4420] =	vst.add.f32.msk $0xffff, v3  }
0x123: {  	[tilespmem:s26+$0x4430] =	vst.add.f32.msk $0xffff, v4  }
0x124: {  	[tilespmem:s26+$0x4440] =	vst.add.f32.msk $0xffff, v63  }
0x125: {  	[tilespmem:s26+$0x4450] =	vst.add.f32.msk $0xffff, v5  }
0x126: {  	s17 =	simm.s32 $0x0;
	s29 =	rddreg [dreg:$0xd];
	[tilespmem:s26+$0x4460] =	vst.add.f32.msk $0xffff, v6  }
0x127: {  	[hbm4b:s29+s17] =	stream.linear.scatter [tilespmem:s0], [sflag:$0x6], $0x4000, $0x38;
	[tilespmem:$0x18400] =	vst v63  }
0x128: {  	_ =	swait.ge [sflag:s13], $0x4000  }
0x129: {  	[sflag:s13] =	ssyncset.done $0x0  }
0x12a: {  	s26 =	simm.s32 $0x0;
	s17 =	simm.s32 $0x200;
	[sflag:s13] =	ssyncadd.s32 $0xFFFFC000  }
.LBB2_14:
0x12b: {  	p0 =	sne.s32 s17, $0xFE00;
	v0 =	vld [tilespmem:s26+$0x10470]  }
0x12c: {  	v1 =	vld [tilespmem:s26+$0x10400]  }
0x12d: {  	v2 =	vld [tilespmem:s26+$0x10410]  }
0x12e: {  	v3 =	vld [tilespmem:s26+$0x10420]  }
0x12f: {  	v4 =	vld [tilespmem:s26+$0x10430]  }
0x130: {  	[tilespmem:s26+$0x8470] =	vst.add.f32.msk $0xffff, v0  }
0x131: {  	v0 =	vld [tilespmem:s26+$0x10440]  }
0x132: {  	v5 =	vld [tilespmem:s26+$0x10450]  }
0x133: {  	v6 =	vld [tilespmem:s26+$0x10460]  }
0x134: {  	[tilespmem:s26+$0x8400] =	vst.add.f32.msk $0xffff, v1  }
0x135: {  	[tilespmem:s26+$0x8410] =	vst.add.f32.msk $0xffff, v2  }
.Ltmp6:
0x136: {  	[tilespmem:s26+$0x8420] =	vst.add.f32.msk $0xffff, v3;
	(pc) =	sbr.rel @p0 .LBB2_14-.Ltmp6, $4  }
0x137: {  	[tilespmem:s26+$0x8430] =	vst.add.f32.msk $0xffff, v4  }
0x138: {  	[tilespmem:s26+$0x8440] =	vst.add.f32.msk $0xffff, v0  }
0x139: {  	[tilespmem:s26+$0x8450] =	vst.add.f32.msk $0xffff, v5  }
0x13a: {  	[tilespmem:s26+$0x8460] =	vst.add.f32.msk $0xffff, v6;
	s26 =	sshra.s32 s17, $0x2;
	s17 =	sadd.s32 $0x200, s17  }
0x13b: {  	v0 =	vld [tilespmem:s26+$0x10470]  }
0x13c: {  	v1 =	vld [tilespmem:s26+$0x10400]  }
0x13d: {  	v2 =	vld [tilespmem:s26+$0x10410]  }
0x13e: {  	v3 =	vld [tilespmem:s26+$0x10420]  }
0x13f: {  	v4 =	vld [tilespmem:s26+$0x10430]  }
0x140: {  	v63 =	vld [tilespmem:s26+$0x10440]  }
0x141: {  	v5 =	vld [tilespmem:s26+$0x10450]  }
0x142: {  	v6 =	vld [tilespmem:s26+$0x10460]  }
0x143: {  	[tilespmem:s26+$0x8470] =	vst.add.f32.msk $0xffff, v0  }
0x144: {  	[tilespmem:s26+$0x8400] =	vst.add.f32.msk $0xffff, v1  }
0x145: {  	[tilespmem:s26+$0x8410] =	vst.add.f32.msk $0xffff, v2  }
0x146: {  	[tilespmem:s26+$0x8420] =	vst.add.f32.msk $0xffff, v3  }
0x147: {  	[tilespmem:s26+$0x8430] =	vst.add.f32.msk $0xffff, v4  }
0x148: {  	[tilespmem:s26+$0x8440] =	vst.add.f32.msk $0xffff, v63  }
0x149: {  	[tilespmem:s26+$0x8450] =	vst.add.f32.msk $0xffff, v5  }
0x14a: {  	s17 =	simm.s32 $0x0;
	s29 =	rddreg [dreg:$0xe];
	[tilespmem:s26+$0x8460] =	vst.add.f32.msk $0xffff, v6  }
0x14b: {  	[hbm4b:s29+s17] =	stream.linear.scatter [tilespmem:s5], [sflag:$0x7], $0x4000, $0x38;
	[tilespmem:$0x18400] =	vst v63  }
0x14c: {  	_ =	swait.ge [sflag:s15], $0x4000  }
0x14d: {  	[sflag:s15] =	ssyncset.done $0x0  }
0x14e: {  	s26 =	simm.s32 $0x0;
	s17 =	simm.s32 $0x200;
	[sflag:s15] =	ssyncadd.s32 $0xFFFFC000  }
.LBB2_16:
0x14f: {  	p0 =	sne.s32 s17, $0xFE00;
	v0 =	vld [tilespmem:s26+$0x14470]  }
0x150: {  	v1 =	vld [tilespmem:s26+$0x14400]  }
0x151: {  	v2 =	vld [tilespmem:s26+$0x14410]  }
0x152: {  	v3 =	vld [tilespmem:s26+$0x14420]  }
0x153: {  	v4 =	vld [tilespmem:s26+$0x14430]  }
0x154: {  	[tilespmem:s26+$0xC470] =	vst.add.f32.msk $0xffff, v0  }
0x155: {  	v0 =	vld [tilespmem:s26+$0x14440]  }
0x156: {  	v5 =	vld [tilespmem:s26+$0x14450]  }
0x157: {  	v6 =	vld [tilespmem:s26+$0x14460]  }
0x158: {  	[tilespmem:s26+$0xC400] =	vst.add.f32.msk $0xffff, v1  }
0x159: {  	[tilespmem:s26+$0xC410] =	vst.add.f32.msk $0xffff, v2  }
.Ltmp7:
0x15a: {  	[tilespmem:s26+$0xC420] =	vst.add.f32.msk $0xffff, v3;
	(pc) =	sbr.rel @p0 .LBB2_16-.Ltmp7, $4  }
0x15b: {  	[tilespmem:s26+$0xC430] =	vst.add.f32.msk $0xffff, v4  }
0x15c: {  	[tilespmem:s26+$0xC440] =	vst.add.f32.msk $0xffff, v0  }
0x15d: {  	[tilespmem:s26+$0xC450] =	vst.add.f32.msk $0xffff, v5  }
0x15e: {  	[tilespmem:s26+$0xC460] =	vst.add.f32.msk $0xffff, v6;
	s26 =	sshra.s32 s17, $0x2;
	s17 =	sadd.s32 $0x200, s17  }
0x15f: {  	v0 =	vld [tilespmem:s26+$0x14470]  }
0x160: {  	v1 =	vld [tilespmem:s26+$0x14400]  }
0x161: {  	v2 =	vld [tilespmem:s26+$0x14410]  }
0x162: {  	v3 =	vld [tilespmem:s26+$0x14420]  }
0x163: {  	v4 =	vld [tilespmem:s26+$0x14430]  }
0x164: {  	v63 =	vld [tilespmem:s26+$0x14440]  }
0x165: {  	v5 =	vld [tilespmem:s26+$0x14450]  }
0x166: {  	v6 =	vld [tilespmem:s26+$0x14460]  }
0x167: {  	[tilespmem:s26+$0xC470] =	vst.add.f32.msk $0xffff, v0  }
0x168: {  	[tilespmem:s26+$0xC400] =	vst.add.f32.msk $0xffff, v1  }
0x169: {  	[tilespmem:s26+$0xC410] =	vst.add.f32.msk $0xffff, v2  }
0x16a: {  	[tilespmem:s26+$0xC420] =	vst.add.f32.msk $0xffff, v3  }
0x16b: {  	[tilespmem:s26+$0xC430] =	vst.add.f32.msk $0xffff, v4  }
0x16c: {  	[tilespmem:s26+$0xC440] =	vst.add.f32.msk $0xffff, v63  }
0x16d: {  	[tilespmem:s26+$0xC450] =	vst.add.f32.msk $0xffff, v5  }
0x16e: {  	s17 =	rddreg [dreg:$0xf];
	[tilespmem:s26+$0xC460] =	vst.add.f32.msk $0xffff, v6  }
0x16f: {  	[hbm4b:s17+s3] =	stream.linear.scatter [tilespmem:s6], [sflag:$0x8], $0x4000, $0x38;
	[tilespmem:$0x18400] =	vst v63  }
0x170: {  	_ =	swait.ge [sflag:s10], $0x4000  }
0x171: {  	[sflag:s10] =	ssyncset.done $0x0  }
0x172: {  	[sflag:s10] =	ssyncadd.s32 $0xFFFFC000  }
0x173: {  	_ =	swait.ge [sflag:s22], $0x4000  }
0x174: {  	[sflag:s22] =	ssyncset.done $0x0  }
0x175: {  	[sflag:s22] =	ssyncadd.s32 $0xFFFFC000  }
0x176: {  	_ =	swait.ge [sflag:s14], $0x4000  }
0x177: {  	[sflag:s14] =	ssyncset.done $0x0  }
0x178: {  	[sflag:s14] =	ssyncadd.s32 $0xFFFFC000  }
0x179: {  	_ =	swait.ge [sflag:s25], $0x4000  }
0x17a: {  	s16 =	sadd.s32 $0x1, s16;
	s29 =	rddreg [dreg:$0x10]  }
0x17b: {  	p0 =	sne.s32 s16, s29  }
.Ltmp8:
0x17c: {  	_ = 	snop;
	(pc) =	sbr.rel @p0 .LBB2_1-.Ltmp8, $3  }
0x17d: {  	_ =	sdelay $0x1  }
0x17e: {  	[sflag:s25] =	ssyncset.done $0x0  }
0x17f: {  	[sflag:s25] =	ssyncadd.s32 $0xFFFFC000  }
0x180: {  	_ =	sfence.sel $0x180000  }
0x181: {  	[bflag:$0x0] =	sbarrier.arrive $0xFFFF  }
0x182: {  	_ =	strace $0x90000047  }
0x183: {  	s0 =	stileid.u32;
	[bflag:$0x2] =	sbarrier.arrive $0xFFFF  }
0x184: {  	p0 =	sne.s32 s0, $0x0;
	s0 =	rddreg [dreg:$0x4]  }
0x185: {  	s0 =	sadd.s32 @!p0 $0x100000, s0  }
0x186: {  	[sflag:s0] =	ssyncadd.tile.s32 @!p0 $0x1;
	_ =	shalt  }
.Lfunc_end2:
_tile_overlayer_lowered:
.L_overlay_start_2:
0x187: {  	(tag) =	ssettag $0x2  }
0x188: {  	s0 =	rddreg [dreg:$0x0];
	s2 =	stileid.u32  }
0x189: {  	s1 =	rddreg [dreg:$0x1];
	p0 =	sne.s32 s2, $0x0  }
0x18a: {  	s3 =	rddreg [dreg:$0x2];
	[bflag:$0x3] =	sbarrier.arrive $0xFFFF;
	s2 =	simm.s32 @!p0 $0x1C0E  }
0x18b: {  	[timem:s3], [sflag:s2] =	dma.local @!p0 [hbm:s0], s1  }
0x18c: {  	s0 =	simm.s32 @!p0 $0xE  }
0x18d: {  	_ =	swait.ge @!p0 [sflag:s0], s1  }
0x18e: {  	s1 =	ssub.s32 @!p0 $0x0, s1;
	[sflag:s0] =	ssyncset.done @!p0 $0x0  }
0x18f: {  	[sflag:s0] =	ssyncadd.s32 @!p0 s1  }
0x190: {  	[bflag:$0x3] =	sbarrier.arrive $0xFFFF  }
0x191: {  	_ =	shalt  }

</sc_bundles>
